<compile_context>
chip_gen: v7x
topology: tpu7x:2x2x1
jax: 0.10.2.dev20260603
libtpu: 0.0.44.dev20260713+nightly
codegen_flags: <defaults>
</compile_context>

<pallas_src>
import functools

import jax
import jax.numpy as jnp
from jax import lax
from jax.experimental import pallas as pl
from jax.experimental.pallas import tpu as pltpu
from jax.experimental.pallas import tpu_sc as plsc

_B = 16384
_D = 1024
_NC = 2
_NS = 16
_NW = _NC * _NS
_RPW = _B // _NW
_L = 16
_G = _RPW // _L
_NB = 2
_NIT = (_G + 2 * _NB - 1) // (2 * _NB)


def _sc_masked_copy(mask_hbm, x_hbm, z_hbm, out_hbm,
                    mask_v, tbuf, fbuf, rows_v, zeros_v, *sems):
    gsems = sems[0:2 * _NB]
    ssems = sems[2 * _NB:4 * _NB]
    zs, zl = sems[4 * _NB], sems[4 * _NB + 1]
    wid = lax.axis_index("s") * _NC + lax.axis_index("c")
    base = wid * _RPW
    pltpu.sync_copy(mask_hbm.at[pl.ds(base, _RPW)], mask_v)
    pltpu.async_copy(z_hbm, zeros_v, zl)

    iota = lax.iota(jnp.int32, _L)

    def comp(g, carry):
        tcnt, fcnt, last_t, last_f = carry
        m = mask_v[pl.ds(g * _L, _L)]
        ids = base + g * _L + iota
        is_t = m > 0
        tpos = plsc.cumsum(m)
        fpos = (iota + 1) - tpos
        tp = tcnt + tpos - 1
        fp = fcnt + fpos - 1
        plsc.store_scatter(tbuf, [tp >> 4, tp & 15], ids, mask=is_t)
        plsc.store_scatter(fbuf, [fp >> 4, fp & 15], ids,
                           mask=jnp.logical_not(is_t))
        last_t = jnp.maximum(last_t, jnp.max(jnp.where(is_t, ids, -1)))
        last_f = jnp.maximum(last_f, jnp.max(jnp.where(is_t, -1, ids)))
        return (tcnt + jnp.max(tpos), fcnt + (_L - jnp.max(tpos)),
                last_t, last_f)

    tcnt, fcnt, last_t, last_f = lax.fori_loop(
        0, _G, comp,
        (jnp.int32(0), jnp.int32(0), jnp.int32(-1), jnp.int32(-1)))

    tp = tcnt + iota
    fp = fcnt + iota
    plsc.store_scatter(tbuf, [tp >> 4, tp & 15],
                       jnp.full((_L,), last_t, jnp.int32))
    plsc.store_scatter(fbuf, [fp >> 4, fp & 15],
                       jnp.full((_L,), last_f, jnp.int32))

    n_t = (tcnt + _L - 1) // _L
    n_f = (fcnt + _L - 1) // _L

    pltpu.make_async_copy(z_hbm, zeros_v, zl).wait()

    def fire_gathers(c0, s0):
        for b in range(_NB):
            @pl.when(c0 + b < n_t)
            def _(b=b):
                pltpu.async_copy(x_hbm.at[tbuf.at[c0 + b]], rows_v.at[s0 + b],
                                 gsems[s0 + b])

    def turn_scatters(c0, s0):
        for b in range(_NB):
            @pl.when(c0 + b < n_t)
            def _(b=b):
                pltpu.make_async_copy(x_hbm.at[tbuf.at[c0 + b]],
                                      rows_v.at[s0 + b], gsems[s0 + b]).wait()
                pltpu.async_copy(rows_v.at[s0 + b], out_hbm.at[tbuf.at[c0 + b]],
                                 ssems[s0 + b])

    def drain_scatters(c0, s0):
        for b in range(_NB):
            @pl.when((c0 + b >= 0) & (c0 + b < n_t))
            def _(b=b):
                pltpu.make_async_copy(rows_v.at[s0 + b],
                                      out_hbm.at[tbuf.at[c0 + b]],
                                      ssems[s0 + b]).wait()

    def fire_zeros(c0, n):
        for b in range(n):
            @pl.when(c0 + b < n_f)
            def _(b=b):
                pltpu.async_copy(zeros_v, out_hbm.at[fbuf.at[c0 + b]], zs)

    def tloop(t, carry):
        cA = t * 2 * _NB
        cB = cA + _NB
        drain_scatters(cA - 2 * _NB, 0)
        fire_gathers(cA, 0)
        fire_zeros(t * 2 * _NB, 2 * _NB)
        drain_scatters(cB - 2 * _NB, _NB)
        fire_gathers(cB, _NB)
        turn_scatters(cA, 0)
        turn_scatters(cB, _NB)
        return carry

    lax.fori_loop(0, _NIT, tloop, 0)
    drain_scatters((_NIT * 2 - 2) * _NB, 0)
    drain_scatters((_NIT * 2 - 1) * _NB, _NB)

    for c in range(_G):
        @pl.when(c < n_f)
        def _(c=c):
            pltpu.make_async_copy(zeros_v, out_hbm.at[fbuf.at[c]], zs).wait()


def kernel(where_input, slice_input, zeros_param, unmatched_nodes, cat_dim, slice_dim, slice_params):
    mask_i32 = where_input.reshape(_B).astype(jnp.int32)
    z_rows = jnp.zeros((_L, _D), jnp.float32)
    run = functools.partial(
        pl.kernel,
        out_type=jax.ShapeDtypeStruct((_B, _D), jnp.float32),
        mesh=plsc.VectorSubcoreMesh(core_axis_name="c", subcore_axis_name="s"),
        compiler_params=pltpu.CompilerParams(needs_layout_passes=False),
        scratch_types=[
            pltpu.VMEM((_RPW,), jnp.int32),
            pltpu.VMEM((_G + 1, _L), jnp.int32),
            pltpu.VMEM((_G + 1, _L), jnp.int32),
            pltpu.VMEM((2 * _NB, _L, _D), jnp.float32),
            pltpu.VMEM((_L, _D), jnp.float32),
        ] + [pltpu.SemaphoreType.DMA] * (4 * _NB + 2),
    )(_sc_masked_copy)
    return run(mask_i32, slice_input, z_rows)

# --- scband reference (transcript-rebuilt; emitter-appended) ---
"""Pipeline reference for scband-fused-slice-where-cat-replacement-60120952209915 (READ-ONLY COPY).

The authoritative reference and input builder live on the scoring server;
editing this copy changes nothing except your own understanding.
"""

import jax, jax.numpy as jnp
import numpy as np

B = 16384
D = 1024
W = 128

def setup_inputs(seed=0) -> dict:
    key = jax.random.key(seed)
    k1, k2 = jax.random.split(key)
    where_input = jax.random.uniform(k1, (B, 1), dtype=jnp.float32) > 0.5
    slice_input = jax.random.normal(k2, (B, D), dtype=jnp.float32)
    zeros_param = jnp.zeros((B, W), dtype=jnp.float32)
    # 8 contiguous (start, end) slice pairs of width 128 covering [0, 1024)
    slice_params = np.array([0, 128, 128, 256, 256, 384, 384, 512,
                             512, 640, 640, 768, 768, 896, 896, 1024], dtype=np.int32)
    return {
        "where_input": where_input,
        "slice_input": slice_input,
        "zeros_param": zeros_param,
        "unmatched_nodes": 0,   # falsy -> no extra unmatched cat inputs
        "cat_dim": 1,
        "slice_dim": 1,
        "slice_params": slice_params,
    }

def reference(where_input, slice_input, zeros_param, unmatched_nodes, cat_dim, slice_dim, slice_params):
    # Faithful semantics of fuse_slice_where_cat:
    # for each (start, end) pair: take slice_input sliced along slice_dim,
    # apply where(where_input, slice, zeros), then concatenate along cat_dim.
    slice_num = slice_params.shape[0] // 2
    width = zeros_param.shape[1]
    offset = unmatched_nodes + (cat_dim - slice_dim)
    outs = []
    for i in range(slice_num):
        s = slice_params[2 * i] + offset
        sl = jax.lax.dynamic_slice_in_dim(slice_input, s, width, axis=1)
        outs.append(jnp.where(where_input, sl, zeros_param))
    cat_matched = jnp.concatenate(outs, axis=1)
    return cat_matched

if __name__ == "__main__":
    import jax
    _d = setup_inputs()
    print(jax.jit(kernel)(*tuple(_d.values())))

</pallas_src>

<mosaic_0001>
#map = affine_map<(d0, d1) -> (0)>
#map1 = affine_map<(d0, d1) -> (0, 0)>
module attributes {stable_mosaic.version = 14 : i64} {
  func.func @_sc_masked_copy(%arg0: i32, %arg1: i32, %arg2: memref<16384xi32, #tpu.memory_space<hbm>>, %arg3: memref<16384x1024xf32, #tpu.memory_space<hbm>>, %arg4: memref<16x1024xf32, #tpu.memory_space<hbm>>, %arg5: memref<16384x1024xf32, #tpu.memory_space<hbm>>, %arg6: memref<512xi32, #tpu.memory_space<vmem>>, %arg7: memref<33x16xi32, #tpu.memory_space<vmem>>, %arg8: memref<33x16xi32, #tpu.memory_space<vmem>>, %arg9: memref<4x16x1024xf32, #tpu.memory_space<vmem>>, %arg10: memref<16x1024xf32, #tpu.memory_space<vmem>>, %arg11: memref<!tpu.dma_semaphore, #tpu.memory_space<semaphore_mem>>, %arg12: memref<!tpu.dma_semaphore, #tpu.memory_space<semaphore_mem>>, %arg13: memref<!tpu.dma_semaphore, #tpu.memory_space<semaphore_mem>>, %arg14: memref<!tpu.dma_semaphore, #tpu.memory_space<semaphore_mem>>, %arg15: memref<!tpu.dma_semaphore, #tpu.memory_space<semaphore_mem>>, %arg16: memref<!tpu.dma_semaphore, #tpu.memory_space<semaphore_mem>>, %arg17: memref<!tpu.dma_semaphore, #tpu.memory_space<semaphore_mem>>, %arg18: memref<!tpu.dma_semaphore, #tpu.memory_space<semaphore_mem>>, %arg19: memref<!tpu.dma_semaphore, #tpu.memory_space<semaphore_mem>>, %arg20: memref<!tpu.dma_semaphore, #tpu.memory_space<semaphore_mem>>) attributes {dimension_semantics = [#tpu.dimension_semantics<core_parallel>, #tpu.dimension_semantics<subcore_parallel>], iteration_bounds = array<i64: 2, 16>, scalar_prefetch = 0 : i64, scratch_operands = 15 : i64, tpu.core_type = #tpu.core_type<sc_vector_subcore>, window_params = [{transform_indices = #map}, {transform_indices = #map1}, {transform_indices = #map1}, {transform_indices = #map1}]} {
    %mul3A = arith.constant 2 : i32
    %mul3A_0 = arith.muli %arg1, %mul3A : i32
    %add3A = arith.addi %mul3A_0, %arg0 : i32
    %mul3A_1 = arith.constant 512 : i32
    %mul3A_2 = arith.muli %add3A, %mul3A_1 : i32
    "tpu.region"() ({
      %run_scoped3A = tpu.sem_alloc : memref<!tpu.dma_semaphore, #tpu.memory_space<semaphore_mem>>
      %dma_start3A = tpu.memref_slice %arg2[%mul3A_2] : memref<16384xi32, #tpu.memory_space<hbm>> -> memref<512xi32, #tpu.memory_space<hbm>>
      %dma_start3A_267 = tpu.memref_slice %arg2[%mul3A_2] : memref<16384xi32, #tpu.memory_space<hbm>> -> memref<512xi32, #tpu.memory_space<hbm>>
      tpu.enqueue_dma source(%dma_start3A_267 : memref<512xi32, #tpu.memory_space<hbm>>) target(%arg6 : memref<512xi32, #tpu.memory_space<vmem>>) target_semaphore(%run_scoped3A : memref<!tpu.dma_semaphore, #tpu.memory_space<semaphore_mem>>)
      %dma_wait3A = tpu.memref_slice %arg2[%mul3A_2] : memref<16384xi32, #tpu.memory_space<hbm>> -> memref<512xi32, #tpu.memory_space<hbm>>
      %dma_wait3A_268 = tpu.memref_slice %arg2[%mul3A_2] : memref<16384xi32, #tpu.memory_space<hbm>> -> memref<512xi32, #tpu.memory_space<hbm>>
      tpu.wait_dma2 semaphore(%run_scoped3A : memref<!tpu.dma_semaphore, #tpu.memory_space<semaphore_mem>>) src(%dma_wait3A_268 : memref<512xi32, #tpu.memory_space<hbm>>) dst(%arg6 : memref<512xi32, #tpu.memory_space<vmem>>)
      tpu.yield
    }) : () -> ()
    tpu.enqueue_dma source(%arg4 : memref<16x1024xf32, #tpu.memory_space<hbm>>) target(%arg10 : memref<16x1024xf32, #tpu.memory_space<vmem>>) target_semaphore(%arg20 : memref<!tpu.dma_semaphore, #tpu.memory_space<semaphore_mem>>)
    %iota3A = tpu.iota {dimensions = array<i32: 0>} : vector<16xi32>
    %scan3A = arith.constant 0 : i32
    %scan3A_3 = arith.constant 0 : i32
    %scan3A_4 = arith.constant -1 : i32
    %scan3A_5 = arith.constant -1 : i32
    %scan3A_6 = arith.constant 0 : i32
    %scan3A_7 = arith.constant 32 : i32
    %scan3A_8 = arith.addi %scan3A_6, %scan3A_7 : i32
    %scan3A_9 = arith.constant 1 : i32
    %scan3A_10:4 = scf.for %scan3A_267 = %scan3A_6 to %scan3A_8 step %scan3A_9 iter_args(%scan3A_268 = %scan3A, %scan3A_269 = %scan3A_3, %scan3A_270 = %scan3A_4, %scan3A_271 = %scan3A_5) -> (i32, i32, i32, i32)  : i32 {
      %mul3A_272 = arith.constant 16 : i32
      %mul3A_273 = arith.muli %scan3A_267, %mul3A_272 : i32
      %get3A = arith.index_cast %mul3A_273 : i32 to index
      %get3A_274 = tpu.vector_load %arg6[%get3A] {strides = array<i32>} : memref<512xi32, #tpu.memory_space<vmem>>, vector<16xi32>,
      %mul3A_275 = arith.constant 16 : i32
      %mul3A_276 = arith.muli %scan3A_267, %mul3A_275 : i32
      %add3A_277 = arith.addi %mul3A_2, %mul3A_276 : i32
      %add3A_278 = vector.broadcast %add3A_277 : i32 to vector<16xi32>
      %add3A_279 = arith.addi %add3A_278, %iota3A : vector<16xi32>
      %gt3A_280 = arith.constant 0 : i32
      %gt3A_281 = vector.broadcast %gt3A_280 : i32 to vector<16xi32>
      %gt3A_282 = arith.cmpi sgt, %get3A_274, %gt3A_281 : vector<16xi32>
      %broadcast_in_dim3A_283 = arith.constant true
      %broadcast_in_dim3A_284 = vector.broadcast %broadcast_in_dim3A_283 : i1 to vector<16xi1>
      %masked_cumsum3A = tpu.scan <sum>, %get3A_274 masked %broadcast_in_dim3A_284 : vector<16xi32>, vector<16xi1> -> vector<16xi32>
      %add3A_285 = arith.constant 1 : i32
      %add3A_286 = vector.broadcast %add3A_285 : i32 to vector<16xi32>
      %add3A_287 = arith.addi %iota3A, %add3A_286 : vector<16xi32>
      %sub3A_288 = arith.subi %add3A_287, %masked_cumsum3A : vector<16xi32>
      %add3A_289 = vector.broadcast %scan3A_268 : i32 to vector<16xi32>
      %add3A_290 = arith.addi %add3A_289, %masked_cumsum3A : vector<16xi32>
      %sub3A_291 = arith.constant 1 : i32
      %sub3A_292 = vector.broadcast %sub3A_291 : i32 to vector<16xi32>
      %sub3A_293 = arith.subi %add3A_290, %sub3A_292 : vector<16xi32>
      %add3A_294 = vector.broadcast %scan3A_269 : i32 to vector<16xi32>
      %add3A_295 = arith.addi %add3A_294, %sub3A_288 : vector<16xi32>
      %sub3A_296 = arith.constant 1 : i32
      %sub3A_297 = vector.broadcast %sub3A_296 : i32 to vector<16xi32>
      %sub3A_298 = arith.subi %add3A_295, %sub3A_297 : vector<16xi32>
      %shift_right_arithmetic3A_299 = arith.constant 4 : i32
      %shift_right_arithmetic3A_300 = vector.broadcast %shift_right_arithmetic3A_299 : i32 to vector<16xi32>
      %shift_right_arithmetic3A_301 = arith.shrsi %sub3A_293, %shift_right_arithmetic3A_300 : vector<16xi32>
      %and3A_302 = arith.constant 15 : i32
      %and3A_303 = vector.broadcast %and3A_302 : i32 to vector<16xi32>
      %and3A_304 = arith.andi %sub3A_293, %and3A_303 : vector<16xi32>
      tpu.vector_store_idx %arg7[%shift_right_arithmetic3A_301, %and3A_304], %add3A_279 masked %gt3A_282 : memref<33x16xi32, #tpu.memory_space<vmem>>[vector<16xi32>, vector<16xi32>], vector<16xi32>, vector<16xi1>
      %shift_right_arithmetic3A_305 = arith.constant 4 : i32
      %shift_right_arithmetic3A_306 = vector.broadcast %shift_right_arithmetic3A_305 : i32 to vector<16xi32>
      %shift_right_arithmetic3A_307 = arith.shrsi %sub3A_298, %shift_right_arithmetic3A_306 : vector<16xi32>
      %and3A_308 = arith.constant 15 : i32
      %and3A_309 = vector.broadcast %and3A_308 : i32 to vector<16xi32>
      %and3A_310 = arith.andi %sub3A_298, %and3A_309 : vector<16xi32>
      %not3A = arith.constant dense<true> : vector<16xi1>
      %not3A_311 = arith.xori %gt3A_282, %not3A : vector<16xi1>
      tpu.vector_store_idx %arg8[%shift_right_arithmetic3A_307, %and3A_310], %add3A_279 masked %not3A_311 : memref<33x16xi32, #tpu.memory_space<vmem>>[vector<16xi32>, vector<16xi32>], vector<16xi32>, vector<16xi1>
      %jit3A_312 = arith.constant -1 : i32
      %broadcast_in_dim3A_313 = vector.broadcast %jit3A_312 : i32 to vector<16xi32>
      %select_n3A_314 = arith.select %gt3A_282, %add3A_279, %broadcast_in_dim3A_313 : vector<16xi1>, vector<16xi32>
      %reduce_max3A = arith.constant true
      %reduce_max3A_315 = vector.broadcast %reduce_max3A : i1 to vector<16xi1>
      %reduce_max3A_316 = arith.constant -2147483648 : i32
      %reduce_max3A_317 = vector.broadcast %reduce_max3A_316 : i32 to vector<16xi32>
      %reduce_max3A_318 = arith.xori %select_n3A_314, %reduce_max3A_317 : vector<16xi32>
      %reduce_max3A_319 = tpu.scan <max>, %reduce_max3A_318 masked %reduce_max3A_315 : vector<16xi32>, vector<16xi1> -> vector<16xi32>
      %reduce_max3A_320 = arith.xori %reduce_max3A_319, %reduce_max3A_317 : vector<16xi32>
      %reduce_max3A_321 = vector.extract %reduce_max3A_320[15] : i32 from vector<16xi32>
      %max3A = arith.maxsi %scan3A_270, %reduce_max3A_321 : i32
      %jit3A_322 = arith.constant -1 : i32
      %broadcast_in_dim3A_323 = vector.broadcast %jit3A_322 : i32 to vector<16xi32>
      %select_n3A_324 = arith.select %gt3A_282, %broadcast_in_dim3A_323, %add3A_279 : vector<16xi1>, vector<16xi32>
      %reduce_max3A_325 = arith.constant true
      %reduce_max3A_326 = vector.broadcast %reduce_max3A_325 : i1 to vector<16xi1>
      %reduce_max3A_327 = arith.constant -2147483648 : i32
      %reduce_max3A_328 = vector.broadcast %reduce_max3A_327 : i32 to vector<16xi32>
      %reduce_max3A_329 = arith.xori %select_n3A_324, %reduce_max3A_328 : vector<16xi32>
      %reduce_max3A_330 = tpu.scan <max>, %reduce_max3A_329 masked %reduce_max3A_326 : vector<16xi32>, vector<16xi1> -> vector<16xi32>
      %reduce_max3A_331 = arith.xori %reduce_max3A_330, %reduce_max3A_328 : vector<16xi32>
      %reduce_max3A_332 = vector.extract %reduce_max3A_331[15] : i32 from vector<16xi32>
      %max3A_333 = arith.maxsi %scan3A_271, %reduce_max3A_332 : i32
      %reduce_max3A_334 = arith.constant true
      %reduce_max3A_335 = vector.broadcast %reduce_max3A_334 : i1 to vector<16xi1>
      %reduce_max3A_336 = arith.constant -2147483648 : i32
      %reduce_max3A_337 = vector.broadcast %reduce_max3A_336 : i32 to vector<16xi32>
      %reduce_max3A_338 = arith.xori %masked_cumsum3A, %reduce_max3A_337 : vector<16xi32>
      %reduce_max3A_339 = tpu.scan <max>, %reduce_max3A_338 masked %reduce_max3A_335 : vector<16xi32>, vector<16xi1> -> vector<16xi32>
      %reduce_max3A_340 = arith.xori %reduce_max3A_339, %reduce_max3A_337 : vector<16xi32>
      %reduce_max3A_341 = vector.extract %reduce_max3A_340[15] : i32 from vector<16xi32>
      %add3A_342 = arith.addi %scan3A_268, %reduce_max3A_341 : i32
      %reduce_max3A_343 = arith.constant true
      %reduce_max3A_344 = vector.broadcast %reduce_max3A_343 : i1 to vector<16xi1>
      %reduce_max3A_345 = arith.constant -2147483648 : i32
      %reduce_max3A_346 = vector.broadcast %reduce_max3A_345 : i32 to vector<16xi32>
      %reduce_max3A_347 = arith.xori %masked_cumsum3A, %reduce_max3A_346 : vector<16xi32>
      %reduce_max3A_348 = tpu.scan <max>, %reduce_max3A_347 masked %reduce_max3A_344 : vector<16xi32>, vector<16xi1> -> vector<16xi32>
      %reduce_max3A_349 = arith.xori %reduce_max3A_348, %reduce_max3A_346 : vector<16xi32>
      %reduce_max3A_350 = vector.extract %reduce_max3A_349[15] : i32 from vector<16xi32>
      %sub3A_351 = arith.constant 16 : i32
      %sub3A_352 = arith.subi %sub3A_351, %reduce_max3A_350 : i32
      %add3A_353 = arith.addi %scan3A_269, %sub3A_352 : i32
      scf.yield %add3A_342, %add3A_353, %max3A, %max3A_333 : i32, i32, i32, i32
    }
    %scan3A_11 = arith.constant 32 : i32
    %add3A_12 = vector.broadcast %scan3A_10#0 : i32 to vector<16xi32>
    %add3A_13 = arith.addi %add3A_12, %iota3A : vector<16xi32>
    %add3A_14 = vector.broadcast %scan3A_10#1 : i32 to vector<16xi32>
    %add3A_15 = arith.addi %add3A_14, %iota3A : vector<16xi32>
    %shift_right_arithmetic3A = arith.constant 4 : i32
    %shift_right_arithmetic3A_16 = vector.broadcast %shift_right_arithmetic3A : i32 to vector<16xi32>
    %shift_right_arithmetic3A_17 = arith.shrsi %add3A_13, %shift_right_arithmetic3A_16 : vector<16xi32>
    %and3A = arith.constant 15 : i32
    %and3A_18 = vector.broadcast %and3A : i32 to vector<16xi32>
    %and3A_19 = arith.andi %add3A_13, %and3A_18 : vector<16xi32>
    %broadcast_in_dim3A = vector.broadcast %scan3A_10#2 : i32 to vector<16xi32>
    tpu.vector_store_idx %arg7[%shift_right_arithmetic3A_17, %and3A_19], %broadcast_in_dim3A : memref<33x16xi32, #tpu.memory_space<vmem>>[vector<16xi32>, vector<16xi32>], vector<16xi32>,
    %shift_right_arithmetic3A_20 = arith.constant 4 : i32
    %shift_right_arithmetic3A_21 = vector.broadcast %shift_right_arithmetic3A_20 : i32 to vector<16xi32>
    %shift_right_arithmetic3A_22 = arith.shrsi %add3A_15, %shift_right_arithmetic3A_21 : vector<16xi32>
    %and3A_23 = arith.constant 15 : i32
    %and3A_24 = vector.broadcast %and3A_23 : i32 to vector<16xi32>
    %and3A_25 = arith.andi %add3A_15, %and3A_24 : vector<16xi32>
    %broadcast_in_dim3A_26 = vector.broadcast %scan3A_10#3 : i32 to vector<16xi32>
    tpu.vector_store_idx %arg8[%shift_right_arithmetic3A_22, %and3A_25], %broadcast_in_dim3A_26 : memref<33x16xi32, #tpu.memory_space<vmem>>[vector<16xi32>, vector<16xi32>], vector<16xi32>,
    %add3A_27 = arith.constant 16 : i32
    %add3A_28 = arith.addi %scan3A_10#0, %add3A_27 : i32
    %sub3A = arith.constant 1 : i32
    %sub3A_29 = arith.subi %add3A_28, %sub3A : i32
    %jit3A = arith.constant 16 : i32
    %div3A = arith.divsi %sub3A_29, %jit3A : i32
    %sign3A = arith.constant 0 : i32
    %sign3A_30 = arith.cmpi sgt, %sub3A_29, %sign3A : i32
    %sign3A_31 = arith.extui %sign3A_30 : i1 to i32
    %sign3A_32 = arith.constant 0 : i32
    %sign3A_33 = arith.cmpi slt, %sub3A_29, %sign3A_32 : i32
    %sign3A_34 = arith.extui %sign3A_33 : i1 to i32
    %sign3A_35 = arith.subi %sign3A_31, %sign3A_34 : i32
    %sign3A_36 = arith.constant 0 : i32
    %sign3A_37 = arith.cmpi sgt, %jit3A, %sign3A_36 : i32
    %sign3A_38 = arith.extui %sign3A_37 : i1 to i32
    %sign3A_39 = arith.constant 0 : i32
    %sign3A_40 = arith.cmpi slt, %jit3A, %sign3A_39 : i32
    %sign3A_41 = arith.extui %sign3A_40 : i1 to i32
    %sign3A_42 = arith.subi %sign3A_38, %sign3A_41 : i32
    %ne3A = arith.cmpi ne, %sign3A_35, %sign3A_42 : i32
    %rem3A = arith.remsi %sub3A_29, %jit3A : i32
    %ne3A_43 = arith.constant 0 : i32
    %ne3A_44 = arith.cmpi ne, %rem3A, %ne3A_43 : i32
    %and3A_45 = arith.andi %ne3A, %ne3A_44 : i1
    %sub3A_46 = arith.constant 1 : i32
    %sub3A_47 = arith.subi %div3A, %sub3A_46 : i32
    %select_n3A = arith.select %and3A_45, %sub3A_47, %div3A : i32
    %add3A_48 = arith.constant 16 : i32
    %add3A_49 = arith.addi %scan3A_10#1, %add3A_48 : i32
    %sub3A_50 = arith.constant 1 : i32
    %sub3A_51 = arith.subi %add3A_49, %sub3A_50 : i32
    %jit3A_52 = arith.constant 16 : i32
    %div3A_53 = arith.divsi %sub3A_51, %jit3A_52 : i32
    %sign3A_54 = arith.constant 0 : i32
    %sign3A_55 = arith.cmpi sgt, %sub3A_51, %sign3A_54 : i32
    %sign3A_56 = arith.extui %sign3A_55 : i1 to i32
    %sign3A_57 = arith.constant 0 : i32
    %sign3A_58 = arith.cmpi slt, %sub3A_51, %sign3A_57 : i32
    %sign3A_59 = arith.extui %sign3A_58 : i1 to i32
    %sign3A_60 = arith.subi %sign3A_56, %sign3A_59 : i32
    %sign3A_61 = arith.constant 0 : i32
    %sign3A_62 = arith.cmpi sgt, %jit3A_52, %sign3A_61 : i32
    %sign3A_63 = arith.extui %sign3A_62 : i1 to i32
    %sign3A_64 = arith.constant 0 : i32
    %sign3A_65 = arith.cmpi slt, %jit3A_52, %sign3A_64 : i32
    %sign3A_66 = arith.extui %sign3A_65 : i1 to i32
    %sign3A_67 = arith.subi %sign3A_63, %sign3A_66 : i32
    %ne3A_68 = arith.cmpi ne, %sign3A_60, %sign3A_67 : i32
    %rem3A_69 = arith.remsi %sub3A_51, %jit3A_52 : i32
    %ne3A_70 = arith.constant 0 : i32
    %ne3A_71 = arith.cmpi ne, %rem3A_69, %ne3A_70 : i32
    %and3A_72 = arith.andi %ne3A_68, %ne3A_71 : i1
    %sub3A_73 = arith.constant 1 : i32
    %sub3A_74 = arith.subi %div3A_53, %sub3A_73 : i32
    %select_n3A_75 = arith.select %and3A_72, %sub3A_74, %div3A_53 : i32
    tpu.wait_dma2 semaphore(%arg20 : memref<!tpu.dma_semaphore, #tpu.memory_space<semaphore_mem>>) src(%arg4 : memref<16x1024xf32, #tpu.memory_space<hbm>>) dst(%arg10 : memref<16x1024xf32, #tpu.memory_space<vmem>>)
    %scan3A_76 = arith.constant 0 : i32
    %scan3A_77 = arith.constant 0 : i32
    %scan3A_78 = arith.constant 8 : i32
    %scan3A_79 = arith.addi %scan3A_77, %scan3A_78 : i32
    %scan3A_80 = arith.constant 1 : i32
    scf.for %scan3A_267 = %scan3A_77 to %scan3A_79 step %scan3A_80  : i32 {
      %mul3A_268 = arith.constant 2 : i32
      %mul3A_269 = arith.muli %scan3A_267, %mul3A_268 : i32
      %mul3A_270 = arith.constant 2 : i32
      %mul3A_271 = arith.muli %mul3A_269, %mul3A_270 : i32
      %add3A_272 = arith.constant 2 : i32
      %add3A_273 = arith.addi %mul3A_271, %add3A_272 : i32
      %sub3A_274 = arith.constant 4 : i32
      %sub3A_275 = arith.subi %mul3A_271, %sub3A_274 : i32
      %add3A_276 = arith.constant 0 : i32
      %add3A_277 = arith.addi %sub3A_275, %add3A_276 : i32
      %ge3A = arith.constant 0 : i32
      %ge3A_278 = arith.cmpi sge, %add3A_277, %ge3A : i32
      %add3A_279 = arith.constant 0 : i32
      %add3A_280 = arith.addi %sub3A_275, %add3A_279 : i32
      %lt3A = arith.cmpi slt, %add3A_280, %select_n3A : i32
      %and3A_281 = arith.andi %ge3A_278, %lt3A : i1
      %convert_element_type3A_282 = arith.extui %and3A_281 : i1 to i32
      %cond3A_283 = arith.constant 0 : i32
      %cond3A_284 = arith.cmpi ne, %convert_element_type3A_282, %cond3A_283 : i32
      scf.if %cond3A_284 {
        %add3A_396 = arith.constant 0 : i32
        %add3A_397 = arith.addi %sub3A_275, %add3A_396 : i32
        %dma_wait3A = arith.constant 0 : i32
        %dma_wait3A_398 = arith.constant 0 : i32
        %dma_wait3A_399 = arith.constant 0 : i32
        %dma_wait3A_400 = tpu.memref_slice %arg9[%dma_wait3A, %dma_wait3A_398, %dma_wait3A_399] : memref<4x16x1024xf32, #tpu.memory_space<vmem>> -> memref<1x16x1024xf32, #tpu.memory_space<vmem>>
        %dma_wait3A_401 = tpu.memref_squeeze %dma_wait3A_400 : memref<1x16x1024xf32, #tpu.memory_space<vmem>> -> memref<16x1024xf32, #tpu.memory_space<vmem>>
        %dma_wait3A_402 = arith.constant 0 : i32
        %dma_wait3A_403 = tpu.memref_slice %arg7[%add3A_397, %dma_wait3A_402] : memref<33x16xi32, #tpu.memory_space<vmem>> -> memref<1x16xi32, #tpu.memory_space<vmem>>
        %dma_wait3A_404 = tpu.memref_squeeze %dma_wait3A_403 : memref<1x16xi32, #tpu.memory_space<vmem>> -> memref<16xi32, #tpu.memory_space<vmem>>
        %dma_wait3A_405 = arith.constant 0 : i32
        %dma_wait3A_406 = arith.constant 0 : i32
        %dma_wait3A_407 = tpu.memref_slice %arg5[%dma_wait3A_405, %dma_wait3A_406] : memref<16384x1024xf32, #tpu.memory_space<hbm>> -> memref<16384x1024xf32, #tpu.memory_space<hbm>>
        tpu.wait_indirect_dma semaphore(%arg15 : memref<!tpu.dma_semaphore, #tpu.memory_space<semaphore_mem>>) src(%dma_wait3A_401 : memref<16x1024xf32, #tpu.memory_space<vmem>>) dst(%dma_wait3A_407 : memref<16384x1024xf32, #tpu.memory_space<hbm>>)
      } else {
      }
      %add3A_285 = arith.constant 1 : i32
      %add3A_286 = arith.addi %sub3A_275, %add3A_285 : i32
      %ge3A_287 = arith.constant 0 : i32
      %ge3A_288 = arith.cmpi sge, %add3A_286, %ge3A_287 : i32
      %add3A_289 = arith.constant 1 : i32
      %add3A_290 = arith.addi %sub3A_275, %add3A_289 : i32
      %lt3A_291 = arith.cmpi slt, %add3A_290, %select_n3A : i32
      %and3A_292 = arith.andi %ge3A_288, %lt3A_291 : i1
      %convert_element_type3A_293 = arith.extui %and3A_292 : i1 to i32
      %cond3A_294 = arith.constant 0 : i32
      %cond3A_295 = arith.cmpi ne, %convert_element_type3A_293, %cond3A_294 : i32
      scf.if %cond3A_295 {
        %add3A_396 = arith.constant 1 : i32
        %add3A_397 = arith.addi %sub3A_275, %add3A_396 : i32
        %dma_wait3A = arith.constant 1 : i32
        %dma_wait3A_398 = arith.constant 0 : i32
        %dma_wait3A_399 = arith.constant 0 : i32
        %dma_wait3A_400 = tpu.memref_slice %arg9[%dma_wait3A, %dma_wait3A_398, %dma_wait3A_399] : memref<4x16x1024xf32, #tpu.memory_space<vmem>> -> memref<1x16x1024xf32, #tpu.memory_space<vmem>>
        %dma_wait3A_401 = tpu.memref_squeeze %dma_wait3A_400 : memref<1x16x1024xf32, #tpu.memory_space<vmem>> -> memref<16x1024xf32, #tpu.memory_space<vmem>>
        %dma_wait3A_402 = arith.constant 0 : i32
        %dma_wait3A_403 = tpu.memref_slice %arg7[%add3A_397, %dma_wait3A_402] : memref<33x16xi32, #tpu.memory_space<vmem>> -> memref<1x16xi32, #tpu.memory_space<vmem>>
        %dma_wait3A_404 = tpu.memref_squeeze %dma_wait3A_403 : memref<1x16xi32, #tpu.memory_space<vmem>> -> memref<16xi32, #tpu.memory_space<vmem>>
        %dma_wait3A_405 = arith.constant 0 : i32
        %dma_wait3A_406 = arith.constant 0 : i32
        %dma_wait3A_407 = tpu.memref_slice %arg5[%dma_wait3A_405, %dma_wait3A_406] : memref<16384x1024xf32, #tpu.memory_space<hbm>> -> memref<16384x1024xf32, #tpu.memory_space<hbm>>
        tpu.wait_indirect_dma semaphore(%arg16 : memref<!tpu.dma_semaphore, #tpu.memory_space<semaphore_mem>>) src(%dma_wait3A_401 : memref<16x1024xf32, #tpu.memory_space<vmem>>) dst(%dma_wait3A_407 : memref<16384x1024xf32, #tpu.memory_space<hbm>>)
      } else {
      }
      %add3A_296 = arith.constant 0 : i32
      %add3A_297 = arith.addi %mul3A_271, %add3A_296 : i32
      %lt3A_298 = arith.cmpi slt, %add3A_297, %select_n3A : i32
      %convert_element_type3A_299 = arith.extui %lt3A_298 : i1 to i32
      %cond3A_300 = arith.constant 0 : i32
      %cond3A_301 = arith.cmpi ne, %convert_element_type3A_299, %cond3A_300 : i32
      scf.if %cond3A_301 {
        %add3A_396 = arith.constant 0 : i32
        %add3A_397 = arith.addi %mul3A_271, %add3A_396 : i32
        %dma_start3A = arith.constant 0 : i32
        %dma_start3A_398 = arith.constant 0 : i32
        %dma_start3A_399 = arith.constant 0 : i32
        %dma_start3A_400 = tpu.memref_slice %arg9[%dma_start3A, %dma_start3A_398, %dma_start3A_399] : memref<4x16x1024xf32, #tpu.memory_space<vmem>> -> memref<1x16x1024xf32, #tpu.memory_space<vmem>>
        %dma_start3A_401 = tpu.memref_squeeze %dma_start3A_400 : memref<1x16x1024xf32, #tpu.memory_space<vmem>> -> memref<16x1024xf32, #tpu.memory_space<vmem>>
        %dma_start3A_402 = arith.constant 0 : i32
        %dma_start3A_403 = tpu.memref_slice %arg7[%add3A_397, %dma_start3A_402] : memref<33x16xi32, #tpu.memory_space<vmem>> -> memref<1x16xi32, #tpu.memory_space<vmem>>
        %dma_start3A_404 = tpu.memref_squeeze %dma_start3A_403 : memref<1x16xi32, #tpu.memory_space<vmem>> -> memref<16xi32, #tpu.memory_space<vmem>>
        %dma_start3A_405 = arith.constant 0 : i32
        %dma_start3A_406 = arith.constant 0 : i32
        %dma_start3A_407 = tpu.memref_slice %arg3[%dma_start3A_405, %dma_start3A_406] : memref<16384x1024xf32, #tpu.memory_space<hbm>> -> memref<16384x1024xf32, #tpu.memory_space<hbm>>
        tpu.enqueue_indirect_dma source(%dma_start3A_407 : memref<16384x1024xf32, #tpu.memory_space<hbm>>) target(%dma_start3A_401 : memref<16x1024xf32, #tpu.memory_space<vmem>>) offsets(%dma_start3A_404 : memref<16xi32, #tpu.memory_space<vmem>>) semaphore(%arg11 : memref<!tpu.dma_semaphore, #tpu.memory_space<semaphore_mem>>)
      } else {
      }
      %add3A_302 = arith.constant 1 : i32
      %add3A_303 = arith.addi %mul3A_271, %add3A_302 : i32
      %lt3A_304 = arith.cmpi slt, %add3A_303, %select_n3A : i32
      %convert_element_type3A_305 = arith.extui %lt3A_304 : i1 to i32
      %cond3A_306 = arith.constant 0 : i32
      %cond3A_307 = arith.cmpi ne, %convert_element_type3A_305, %cond3A_306 : i32
      scf.if %cond3A_307 {
        %add3A_396 = arith.constant 1 : i32
        %add3A_397 = arith.addi %mul3A_271, %add3A_396 : i32
        %dma_start3A = arith.constant 1 : i32
        %dma_start3A_398 = arith.constant 0 : i32
        %dma_start3A_399 = arith.constant 0 : i32
        %dma_start3A_400 = tpu.memref_slice %arg9[%dma_start3A, %dma_start3A_398, %dma_start3A_399] : memref<4x16x1024xf32, #tpu.memory_space<vmem>> -> memref<1x16x1024xf32, #tpu.memory_space<vmem>>
        %dma_start3A_401 = tpu.memref_squeeze %dma_start3A_400 : memref<1x16x1024xf32, #tpu.memory_space<vmem>> -> memref<16x1024xf32, #tpu.memory_space<vmem>>
        %dma_start3A_402 = arith.constant 0 : i32
        %dma_start3A_403 = tpu.memref_slice %arg7[%add3A_397, %dma_start3A_402] : memref<33x16xi32, #tpu.memory_space<vmem>> -> memref<1x16xi32, #tpu.memory_space<vmem>>
        %dma_start3A_404 = tpu.memref_squeeze %dma_start3A_403 : memref<1x16xi32, #tpu.memory_space<vmem>> -> memref<16xi32, #tpu.memory_space<vmem>>
        %dma_start3A_405 = arith.constant 0 : i32
        %dma_start3A_406 = arith.constant 0 : i32
        %dma_start3A_407 = tpu.memref_slice %arg3[%dma_start3A_405, %dma_start3A_406] : memref<16384x1024xf32, #tpu.memory_space<hbm>> -> memref<16384x1024xf32, #tpu.memory_space<hbm>>
        tpu.enqueue_indirect_dma source(%dma_start3A_407 : memref<16384x1024xf32, #tpu.memory_space<hbm>>) target(%dma_start3A_401 : memref<16x1024xf32, #tpu.memory_space<vmem>>) offsets(%dma_start3A_404 : memref<16xi32, #tpu.memory_space<vmem>>) semaphore(%arg12 : memref<!tpu.dma_semaphore, #tpu.memory_space<semaphore_mem>>)
      } else {
      }
      %mul3A_308 = arith.constant 2 : i32
      %mul3A_309 = arith.muli %scan3A_267, %mul3A_308 : i32
      %mul3A_310 = arith.constant 2 : i32
      %mul3A_311 = arith.muli %mul3A_309, %mul3A_310 : i32
      %add3A_312 = arith.constant 0 : i32
      %add3A_313 = arith.addi %mul3A_311, %add3A_312 : i32
      %lt3A_314 = arith.cmpi slt, %add3A_313, %select_n3A_75 : i32
      %convert_element_type3A_315 = arith.extui %lt3A_314 : i1 to i32
      %cond3A_316 = arith.constant 0 : i32
      %cond3A_317 = arith.cmpi ne, %convert_element_type3A_315, %cond3A_316 : i32
      scf.if %cond3A_317 {
        %add3A_396 = arith.constant 0 : i32
        %add3A_397 = arith.addi %mul3A_311, %add3A_396 : i32
        %dma_start3A = arith.constant 0 : i32
        %dma_start3A_398 = tpu.memref_slice %arg8[%add3A_397, %dma_start3A] : memref<33x16xi32, #tpu.memory_space<vmem>> -> memref<1x16xi32, #tpu.memory_space<vmem>>
        %dma_start3A_399 = tpu.memref_squeeze %dma_start3A_398 : memref<1x16xi32, #tpu.memory_space<vmem>> -> memref<16xi32, #tpu.memory_space<vmem>>
        %dma_start3A_400 = arith.constant 0 : i32
        %dma_start3A_401 = arith.constant 0 : i32
        %dma_start3A_402 = tpu.memref_slice %arg5[%dma_start3A_400, %dma_start3A_401] : memref<16384x1024xf32, #tpu.memory_space<hbm>> -> memref<16384x1024xf32, #tpu.memory_space<hbm>>
        tpu.enqueue_indirect_dma source(%arg10 : memref<16x1024xf32, #tpu.memory_space<vmem>>) target(%dma_start3A_402 : memref<16384x1024xf32, #tpu.memory_space<hbm>>) offsets(%dma_start3A_399 : memref<16xi32, #tpu.memory_space<vmem>>) semaphore(%arg19 : memref<!tpu.dma_semaphore, #tpu.memory_space<semaphore_mem>>)
      } else {
      }
      %add3A_318 = arith.constant 1 : i32
      %add3A_319 = arith.addi %mul3A_311, %add3A_318 : i32
      %lt3A_320 = arith.cmpi slt, %add3A_319, %select_n3A_75 : i32
      %convert_element_type3A_321 = arith.extui %lt3A_320 : i1 to i32
      %cond3A_322 = arith.constant 0 : i32
      %cond3A_323 = arith.cmpi ne, %convert_element_type3A_321, %cond3A_322 : i32
      scf.if %cond3A_323 {
        %add3A_396 = arith.constant 1 : i32
        %add3A_397 = arith.addi %mul3A_311, %add3A_396 : i32
        %dma_start3A = arith.constant 0 : i32
        %dma_start3A_398 = tpu.memref_slice %arg8[%add3A_397, %dma_start3A] : memref<33x16xi32, #tpu.memory_space<vmem>> -> memref<1x16xi32, #tpu.memory_space<vmem>>
        %dma_start3A_399 = tpu.memref_squeeze %dma_start3A_398 : memref<1x16xi32, #tpu.memory_space<vmem>> -> memref<16xi32, #tpu.memory_space<vmem>>
        %dma_start3A_400 = arith.constant 0 : i32
        %dma_start3A_401 = arith.constant 0 : i32
        %dma_start3A_402 = tpu.memref_slice %arg5[%dma_start3A_400, %dma_start3A_401] : memref<16384x1024xf32, #tpu.memory_space<hbm>> -> memref<16384x1024xf32, #tpu.memory_space<hbm>>
        tpu.enqueue_indirect_dma source(%arg10 : memref<16x1024xf32, #tpu.memory_space<vmem>>) target(%dma_start3A_402 : memref<16384x1024xf32, #tpu.memory_space<hbm>>) offsets(%dma_start3A_399 : memref<16xi32, #tpu.memory_space<vmem>>) semaphore(%arg19 : memref<!tpu.dma_semaphore, #tpu.memory_space<semaphore_mem>>)
      } else {
      }
      %add3A_324 = arith.constant 2 : i32
      %add3A_325 = arith.addi %mul3A_311, %add3A_324 : i32
      %lt3A_326 = arith.cmpi slt, %add3A_325, %select_n3A_75 : i32
      %convert_element_type3A_327 = arith.extui %lt3A_326 : i1 to i32
      %cond3A_328 = arith.constant 0 : i32
      %cond3A_329 = arith.cmpi ne, %convert_element_type3A_327, %cond3A_328 : i32
      scf.if %cond3A_329 {
        %add3A_396 = arith.constant 2 : i32
        %add3A_397 = arith.addi %mul3A_311, %add3A_396 : i32
        %dma_start3A = arith.constant 0 : i32
        %dma_start3A_398 = tpu.memref_slice %arg8[%add3A_397, %dma_start3A] : memref<33x16xi32, #tpu.memory_space<vmem>> -> memref<1x16xi32, #tpu.memory_space<vmem>>
        %dma_start3A_399 = tpu.memref_squeeze %dma_start3A_398 : memref<1x16xi32, #tpu.memory_space<vmem>> -> memref<16xi32, #tpu.memory_space<vmem>>
        %dma_start3A_400 = arith.constant 0 : i32
        %dma_start3A_401 = arith.constant 0 : i32
        %dma_start3A_402 = tpu.memref_slice %arg5[%dma_start3A_400, %dma_start3A_401] : memref<16384x1024xf32, #tpu.memory_space<hbm>> -> memref<16384x1024xf32, #tpu.memory_space<hbm>>
        tpu.enqueue_indirect_dma source(%arg10 : memref<16x1024xf32, #tpu.memory_space<vmem>>) target(%dma_start3A_402 : memref<16384x1024xf32, #tpu.memory_space<hbm>>) offsets(%dma_start3A_399 : memref<16xi32, #tpu.memory_space<vmem>>) semaphore(%arg19 : memref<!tpu.dma_semaphore, #tpu.memory_space<semaphore_mem>>)
      } else {
      }
      %add3A_330 = arith.constant 3 : i32
      %add3A_331 = arith.addi %mul3A_311, %add3A_330 : i32
      %lt3A_332 = arith.cmpi slt, %add3A_331, %select_n3A_75 : i32
      %convert_element_type3A_333 = arith.extui %lt3A_332 : i1 to i32
      %cond3A_334 = arith.constant 0 : i32
      %cond3A_335 = arith.cmpi ne, %convert_element_type3A_333, %cond3A_334 : i32
      scf.if %cond3A_335 {
        %add3A_396 = arith.constant 3 : i32
        %add3A_397 = arith.addi %mul3A_311, %add3A_396 : i32
        %dma_start3A = arith.constant 0 : i32
        %dma_start3A_398 = tpu.memref_slice %arg8[%add3A_397, %dma_start3A] : memref<33x16xi32, #tpu.memory_space<vmem>> -> memref<1x16xi32, #tpu.memory_space<vmem>>
        %dma_start3A_399 = tpu.memref_squeeze %dma_start3A_398 : memref<1x16xi32, #tpu.memory_space<vmem>> -> memref<16xi32, #tpu.memory_space<vmem>>
        %dma_start3A_400 = arith.constant 0 : i32
        %dma_start3A_401 = arith.constant 0 : i32
        %dma_start3A_402 = tpu.memref_slice %arg5[%dma_start3A_400, %dma_start3A_401] : memref<16384x1024xf32, #tpu.memory_space<hbm>> -> memref<16384x1024xf32, #tpu.memory_space<hbm>>
        tpu.enqueue_indirect_dma source(%arg10 : memref<16x1024xf32, #tpu.memory_space<vmem>>) target(%dma_start3A_402 : memref<16384x1024xf32, #tpu.memory_space<hbm>>) offsets(%dma_start3A_399 : memref<16xi32, #tpu.memory_space<vmem>>) semaphore(%arg19 : memref<!tpu.dma_semaphore, #tpu.memory_space<semaphore_mem>>)
      } else {
      }
      %sub3A_336 = arith.constant 4 : i32
      %sub3A_337 = arith.subi %add3A_273, %sub3A_336 : i32
      %add3A_338 = arith.constant 0 : i32
      %add3A_339 = arith.addi %sub3A_337, %add3A_338 : i32
      %ge3A_340 = arith.constant 0 : i32
      %ge3A_341 = arith.cmpi sge, %add3A_339, %ge3A_340 : i32
      %add3A_342 = arith.constant 0 : i32
      %add3A_343 = arith.addi %sub3A_337, %add3A_342 : i32
      %lt3A_344 = arith.cmpi slt, %add3A_343, %select_n3A : i32
      %and3A_345 = arith.andi %ge3A_341, %lt3A_344 : i1
      %convert_element_type3A_346 = arith.extui %and3A_345 : i1 to i32
      %cond3A_347 = arith.constant 0 : i32
      %cond3A_348 = arith.cmpi ne, %convert_element_type3A_346, %cond3A_347 : i32
      scf.if %cond3A_348 {
        %add3A_396 = arith.constant 0 : i32
        %add3A_397 = arith.addi %sub3A_337, %add3A_396 : i32
        %dma_wait3A = arith.constant 2 : i32
        %dma_wait3A_398 = arith.constant 0 : i32
        %dma_wait3A_399 = arith.constant 0 : i32
        %dma_wait3A_400 = tpu.memref_slice %arg9[%dma_wait3A, %dma_wait3A_398, %dma_wait3A_399] : memref<4x16x1024xf32, #tpu.memory_space<vmem>> -> memref<1x16x1024xf32, #tpu.memory_space<vmem>>
        %dma_wait3A_401 = tpu.memref_squeeze %dma_wait3A_400 : memref<1x16x1024xf32, #tpu.memory_space<vmem>> -> memref<16x1024xf32, #tpu.memory_space<vmem>>
        %dma_wait3A_402 = arith.constant 0 : i32
        %dma_wait3A_403 = tpu.memref_slice %arg7[%add3A_397, %dma_wait3A_402] : memref<33x16xi32, #tpu.memory_space<vmem>> -> memref<1x16xi32, #tpu.memory_space<vmem>>
        %dma_wait3A_404 = tpu.memref_squeeze %dma_wait3A_403 : memref<1x16xi32, #tpu.memory_space<vmem>> -> memref<16xi32, #tpu.memory_space<vmem>>
        %dma_wait3A_405 = arith.constant 0 : i32
        %dma_wait3A_406 = arith.constant 0 : i32
        %dma_wait3A_407 = tpu.memref_slice %arg5[%dma_wait3A_405, %dma_wait3A_406] : memref<16384x1024xf32, #tpu.memory_space<hbm>> -> memref<16384x1024xf32, #tpu.memory_space<hbm>>
        tpu.wait_indirect_dma semaphore(%arg17 : memref<!tpu.dma_semaphore, #tpu.memory_space<semaphore_mem>>) src(%dma_wait3A_401 : memref<16x1024xf32, #tpu.memory_space<vmem>>) dst(%dma_wait3A_407 : memref<16384x1024xf32, #tpu.memory_space<hbm>>)
      } else {
      }
      %add3A_349 = arith.constant 1 : i32
      %add3A_350 = arith.addi %sub3A_337, %add3A_349 : i32
      %ge3A_351 = arith.constant 0 : i32
      %ge3A_352 = arith.cmpi sge, %add3A_350, %ge3A_351 : i32
      %add3A_353 = arith.constant 1 : i32
      %add3A_354 = arith.addi %sub3A_337, %add3A_353 : i32
      %lt3A_355 = arith.cmpi slt, %add3A_354, %select_n3A : i32
      %and3A_356 = arith.andi %ge3A_352, %lt3A_355 : i1
      %convert_element_type3A_357 = arith.extui %and3A_356 : i1 to i32
      %cond3A_358 = arith.constant 0 : i32
      %cond3A_359 = arith.cmpi ne, %convert_element_type3A_357, %cond3A_358 : i32
      scf.if %cond3A_359 {
        %add3A_396 = arith.constant 1 : i32
        %add3A_397 = arith.addi %sub3A_337, %add3A_396 : i32
        %dma_wait3A = arith.constant 3 : i32
        %dma_wait3A_398 = arith.constant 0 : i32
        %dma_wait3A_399 = arith.constant 0 : i32
        %dma_wait3A_400 = tpu.memref_slice %arg9[%dma_wait3A, %dma_wait3A_398, %dma_wait3A_399] : memref<4x16x1024xf32, #tpu.memory_space<vmem>> -> memref<1x16x1024xf32, #tpu.memory_space<vmem>>
        %dma_wait3A_401 = tpu.memref_squeeze %dma_wait3A_400 : memref<1x16x1024xf32, #tpu.memory_space<vmem>> -> memref<16x1024xf32, #tpu.memory_space<vmem>>
        %dma_wait3A_402 = arith.constant 0 : i32
        %dma_wait3A_403 = tpu.memref_slice %arg7[%add3A_397, %dma_wait3A_402] : memref<33x16xi32, #tpu.memory_space<vmem>> -> memref<1x16xi32, #tpu.memory_space<vmem>>
        %dma_wait3A_404 = tpu.memref_squeeze %dma_wait3A_403 : memref<1x16xi32, #tpu.memory_space<vmem>> -> memref<16xi32, #tpu.memory_space<vmem>>
        %dma_wait3A_405 = arith.constant 0 : i32
        %dma_wait3A_406 = arith.constant 0 : i32
        %dma_wait3A_407 = tpu.memref_slice %arg5[%dma_wait3A_405, %dma_wait3A_406] : memref<16384x1024xf32, #tpu.memory_space<hbm>> -> memref<16384x1024xf32, #tpu.memory_space<hbm>>
        tpu.wait_indirect_dma semaphore(%arg18 : memref<!tpu.dma_semaphore, #tpu.memory_space<semaphore_mem>>) src(%dma_wait3A_401 : memref<16x1024xf32, #tpu.memory_space<vmem>>) dst(%dma_wait3A_407 : memref<16384x1024xf32, #tpu.memory_space<hbm>>)
      } else {
      }
      %add3A_360 = arith.constant 0 : i32
      %add3A_361 = arith.addi %add3A_273, %add3A_360 : i32
      %lt3A_362 = arith.cmpi slt, %add3A_361, %select_n3A : i32
      %convert_element_type3A_363 = arith.extui %lt3A_362 : i1 to i32
      %cond3A_364 = arith.constant 0 : i32
      %cond3A_365 = arith.cmpi ne, %convert_element_type3A_363, %cond3A_364 : i32
      scf.if %cond3A_365 {
        %add3A_396 = arith.constant 0 : i32
        %add3A_397 = arith.addi %add3A_273, %add3A_396 : i32
        %dma_start3A = arith.constant 2 : i32
        %dma_start3A_398 = arith.constant 0 : i32
        %dma_start3A_399 = arith.constant 0 : i32
        %dma_start3A_400 = tpu.memref_slice %arg9[%dma_start3A, %dma_start3A_398, %dma_start3A_399] : memref<4x16x1024xf32, #tpu.memory_space<vmem>> -> memref<1x16x1024xf32, #tpu.memory_space<vmem>>
        %dma_start3A_401 = tpu.memref_squeeze %dma_start3A_400 : memref<1x16x1024xf32, #tpu.memory_space<vmem>> -> memref<16x1024xf32, #tpu.memory_space<vmem>>
        %dma_start3A_402 = arith.constant 0 : i32
        %dma_start3A_403 = tpu.memref_slice %arg7[%add3A_397, %dma_start3A_402] : memref<33x16xi32, #tpu.memory_space<vmem>> -> memref<1x16xi32, #tpu.memory_space<vmem>>
        %dma_start3A_404 = tpu.memref_squeeze %dma_start3A_403 : memref<1x16xi32, #tpu.memory_space<vmem>> -> memref<16xi32, #tpu.memory_space<vmem>>
        %dma_start3A_405 = arith.constant 0 : i32
        %dma_start3A_406 = arith.constant 0 : i32
        %dma_start3A_407 = tpu.memref_slice %arg3[%dma_start3A_405, %dma_start3A_406] : memref<16384x1024xf32, #tpu.memory_space<hbm>> -> memref<16384x1024xf32, #tpu.memory_space<hbm>>
        tpu.enqueue_indirect_dma source(%dma_start3A_407 : memref<16384x1024xf32, #tpu.memory_space<hbm>>) target(%dma_start3A_401 : memref<16x1024xf32, #tpu.memory_space<vmem>>) offsets(%dma_start3A_404 : memref<16xi32, #tpu.memory_space<vmem>>) semaphore(%arg13 : memref<!tpu.dma_semaphore, #tpu.memory_space<semaphore_mem>>)
      } else {
      }
      %add3A_366 = arith.constant 1 : i32
      %add3A_367 = arith.addi %add3A_273, %add3A_366 : i32
      %lt3A_368 = arith.cmpi slt, %add3A_367, %select_n3A : i32
      %convert_element_type3A_369 = arith.extui %lt3A_368 : i1 to i32
      %cond3A_370 = arith.constant 0 : i32
      %cond3A_371 = arith.cmpi ne, %convert_element_type3A_369, %cond3A_370 : i32
      scf.if %cond3A_371 {
        %add3A_396 = arith.constant 1 : i32
        %add3A_397 = arith.addi %add3A_273, %add3A_396 : i32
        %dma_start3A = arith.constant 3 : i32
        %dma_start3A_398 = arith.constant 0 : i32
        %dma_start3A_399 = arith.constant 0 : i32
        %dma_start3A_400 = tpu.memref_slice %arg9[%dma_start3A, %dma_start3A_398, %dma_start3A_399] : memref<4x16x1024xf32, #tpu.memory_space<vmem>> -> memref<1x16x1024xf32, #tpu.memory_space<vmem>>
        %dma_start3A_401 = tpu.memref_squeeze %dma_start3A_400 : memref<1x16x1024xf32, #tpu.memory_space<vmem>> -> memref<16x1024xf32, #tpu.memory_space<vmem>>
        %dma_start3A_402 = arith.constant 0 : i32
        %dma_start3A_403 = tpu.memref_slice %arg7[%add3A_397, %dma_start3A_402] : memref<33x16xi32, #tpu.memory_space<vmem>> -> memref<1x16xi32, #tpu.memory_space<vmem>>
        %dma_start3A_404 = tpu.memref_squeeze %dma_start3A_403 : memref<1x16xi32, #tpu.memory_space<vmem>> -> memref<16xi32, #tpu.memory_space<vmem>>
        %dma_start3A_405 = arith.constant 0 : i32
        %dma_start3A_406 = arith.constant 0 : i32
        %dma_start3A_407 = tpu.memref_slice %arg3[%dma_start3A_405, %dma_start3A_406] : memref<16384x1024xf32, #tpu.memory_space<hbm>> -> memref<16384x1024xf32, #tpu.memory_space<hbm>>
        tpu.enqueue_indirect_dma source(%dma_start3A_407 : memref<16384x1024xf32, #tpu.memory_space<hbm>>) target(%dma_start3A_401 : memref<16x1024xf32, #tpu.memory_space<vmem>>) offsets(%dma_start3A_404 : memref<16xi32, #tpu.memory_space<vmem>>) semaphore(%arg14 : memref<!tpu.dma_semaphore, #tpu.memory_space<semaphore_mem>>)
      } else {
      }
      %add3A_372 = arith.constant 0 : i32
      %add3A_373 = arith.addi %mul3A_271, %add3A_372 : i32
      %lt3A_374 = arith.cmpi slt, %add3A_373, %select_n3A : i32
      %convert_element_type3A_375 = arith.extui %lt3A_374 : i1 to i32
      %cond3A_376 = arith.constant 0 : i32
      %cond3A_377 = arith.cmpi ne, %convert_element_type3A_375, %cond3A_376 : i32
      scf.if %cond3A_377 {
        %add3A_396 = arith.constant 0 : i32
        %add3A_397 = arith.addi %mul3A_271, %add3A_396 : i32
        %dma_wait3A = arith.constant 0 : i32
        %dma_wait3A_398 = arith.constant 0 : i32
        %dma_wait3A_399 = arith.constant 0 : i32
        %dma_wait3A_400 = tpu.memref_slice %arg9[%dma_wait3A, %dma_wait3A_398, %dma_wait3A_399] : memref<4x16x1024xf32, #tpu.memory_space<vmem>> -> memref<1x16x1024xf32, #tpu.memory_space<vmem>>
        %dma_wait3A_401 = tpu.memref_squeeze %dma_wait3A_400 : memref<1x16x1024xf32, #tpu.memory_space<vmem>> -> memref<16x1024xf32, #tpu.memory_space<vmem>>
        %dma_wait3A_402 = arith.constant 0 : i32
        %dma_wait3A_403 = tpu.memref_slice %arg7[%add3A_397, %dma_wait3A_402] : memref<33x16xi32, #tpu.memory_space<vmem>> -> memref<1x16xi32, #tpu.memory_space<vmem>>
        %dma_wait3A_404 = tpu.memref_squeeze %dma_wait3A_403 : memref<1x16xi32, #tpu.memory_space<vmem>> -> memref<16xi32, #tpu.memory_space<vmem>>
        %dma_wait3A_405 = arith.constant 0 : i32
        %dma_wait3A_406 = arith.constant 0 : i32
        %dma_wait3A_407 = tpu.memref_slice %arg3[%dma_wait3A_405, %dma_wait3A_406] : memref<16384x1024xf32, #tpu.memory_space<hbm>> -> memref<16384x1024xf32, #tpu.memory_space<hbm>>
        tpu.wait_indirect_dma semaphore(%arg11 : memref<!tpu.dma_semaphore, #tpu.memory_space<semaphore_mem>>) src(%dma_wait3A_407 : memref<16384x1024xf32, #tpu.memory_space<hbm>>) dst(%dma_wait3A_401 : memref<16x1024xf32, #tpu.memory_space<vmem>>)
        %add3A_408 = arith.constant 0 : i32
        %add3A_409 = arith.addi %mul3A_271, %add3A_408 : i32
        %dma_start3A = arith.constant 0 : i32
        %dma_start3A_410 = arith.constant 0 : i32
        %dma_start3A_411 = arith.constant 0 : i32
        %dma_start3A_412 = tpu.memref_slice %arg9[%dma_start3A, %dma_start3A_410, %dma_start3A_411] : memref<4x16x1024xf32, #tpu.memory_space<vmem>> -> memref<1x16x1024xf32, #tpu.memory_space<vmem>>
        %dma_start3A_413 = tpu.memref_squeeze %dma_start3A_412 : memref<1x16x1024xf32, #tpu.memory_space<vmem>> -> memref<16x1024xf32, #tpu.memory_space<vmem>>
        %dma_start3A_414 = arith.constant 0 : i32
        %dma_start3A_415 = tpu.memref_slice %arg7[%add3A_409, %dma_start3A_414] : memref<33x16xi32, #tpu.memory_space<vmem>> -> memref<1x16xi32, #tpu.memory_space<vmem>>
        %dma_start3A_416 = tpu.memref_squeeze %dma_start3A_415 : memref<1x16xi32, #tpu.memory_space<vmem>> -> memref<16xi32, #tpu.memory_space<vmem>>
        %dma_start3A_417 = arith.constant 0 : i32
        %dma_start3A_418 = arith.constant 0 : i32
        %dma_start3A_419 = tpu.memref_slice %arg5[%dma_start3A_417, %dma_start3A_418] : memref<16384x1024xf32, #tpu.memory_space<hbm>> -> memref<16384x1024xf32, #tpu.memory_space<hbm>>
        tpu.enqueue_indirect_dma source(%dma_start3A_413 : memref<16x1024xf32, #tpu.memory_space<vmem>>) target(%dma_start3A_419 : memref<16384x1024xf32, #tpu.memory_space<hbm>>) offsets(%dma_start3A_416 : memref<16xi32, #tpu.memory_space<vmem>>) semaphore(%arg15 : memref<!tpu.dma_semaphore, #tpu.memory_space<semaphore_mem>>)
      } else {
      }
      %add3A_378 = arith.constant 1 : i32
      %add3A_379 = arith.addi %mul3A_271, %add3A_378 : i32
      %lt3A_380 = arith.cmpi slt, %add3A_379, %select_n3A : i32
      %convert_element_type3A_381 = arith.extui %lt3A_380 : i1 to i32
      %cond3A_382 = arith.constant 0 : i32
      %cond3A_383 = arith.cmpi ne, %convert_element_type3A_381, %cond3A_382 : i32
      scf.if %cond3A_383 {
        %add3A_396 = arith.constant 1 : i32
        %add3A_397 = arith.addi %mul3A_271, %add3A_396 : i32
        %dma_wait3A = arith.constant 1 : i32
        %dma_wait3A_398 = arith.constant 0 : i32
        %dma_wait3A_399 = arith.constant 0 : i32
        %dma_wait3A_400 = tpu.memref_slice %arg9[%dma_wait3A, %dma_wait3A_398, %dma_wait3A_399] : memref<4x16x1024xf32, #tpu.memory_space<vmem>> -> memref<1x16x1024xf32, #tpu.memory_space<vmem>>
        %dma_wait3A_401 = tpu.memref_squeeze %dma_wait3A_400 : memref<1x16x1024xf32, #tpu.memory_space<vmem>> -> memref<16x1024xf32, #tpu.memory_space<vmem>>
        %dma_wait3A_402 = arith.constant 0 : i32
        %dma_wait3A_403 = tpu.memref_slice %arg7[%add3A_397, %dma_wait3A_402] : memref<33x16xi32, #tpu.memory_space<vmem>> -> memref<1x16xi32, #tpu.memory_space<vmem>>
        %dma_wait3A_404 = tpu.memref_squeeze %dma_wait3A_403 : memref<1x16xi32, #tpu.memory_space<vmem>> -> memref<16xi32, #tpu.memory_space<vmem>>
        %dma_wait3A_405 = arith.constant 0 : i32
        %dma_wait3A_406 = arith.constant 0 : i32
        %dma_wait3A_407 = tpu.memref_slice %arg3[%dma_wait3A_405, %dma_wait3A_406] : memref<16384x1024xf32, #tpu.memory_space<hbm>> -> memref<16384x1024xf32, #tpu.memory_space<hbm>>
        tpu.wait_indirect_dma semaphore(%arg12 : memref<!tpu.dma_semaphore, #tpu.memory_space<semaphore_mem>>) src(%dma_wait3A_407 : memref<16384x1024xf32, #tpu.memory_space<hbm>>) dst(%dma_wait3A_401 : memref<16x1024xf32, #tpu.memory_space<vmem>>)
        %add3A_408 = arith.constant 1 : i32
        %add3A_409 = arith.addi %mul3A_271, %add3A_408 : i32
        %dma_start3A = arith.constant 1 : i32
        %dma_start3A_410 = arith.constant 0 : i32
        %dma_start3A_411 = arith.constant 0 : i32
        %dma_start3A_412 = tpu.memref_slice %arg9[%dma_start3A, %dma_start3A_410, %dma_start3A_411] : memref<4x16x1024xf32, #tpu.memory_space<vmem>> -> memref<1x16x1024xf32, #tpu.memory_space<vmem>>
        %dma_start3A_413 = tpu.memref_squeeze %dma_start3A_412 : memref<1x16x1024xf32, #tpu.memory_space<vmem>> -> memref<16x1024xf32, #tpu.memory_space<vmem>>
        %dma_start3A_414 = arith.constant 0 : i32
        %dma_start3A_415 = tpu.memref_slice %arg7[%add3A_409, %dma_start3A_414] : memref<33x16xi32, #tpu.memory_space<vmem>> -> memref<1x16xi32, #tpu.memory_space<vmem>>
        %dma_start3A_416 = tpu.memref_squeeze %dma_start3A_415 : memref<1x16xi32, #tpu.memory_space<vmem>> -> memref<16xi32, #tpu.memory_space<vmem>>
        %dma_start3A_417 = arith.constant 0 : i32
        %dma_start3A_418 = arith.constant 0 : i32
        %dma_start3A_419 = tpu.memref_slice %arg5[%dma_start3A_417, %dma_start3A_418] : memref<16384x1024xf32, #tpu.memory_space<hbm>> -> memref<16384x1024xf32, #tpu.memory_space<hbm>>
        tpu.enqueue_indirect_dma source(%dma_start3A_413 : memref<16x1024xf32, #tpu.memory_space<vmem>>) target(%dma_start3A_419 : memref<16384x1024xf32, #tpu.memory_space<hbm>>) offsets(%dma_start3A_416 : memref<16xi32, #tpu.memory_space<vmem>>) semaphore(%arg16 : memref<!tpu.dma_semaphore, #tpu.memory_space<semaphore_mem>>)
      } else {
      }
      %add3A_384 = arith.constant 0 : i32
      %add3A_385 = arith.addi %add3A_273, %add3A_384 : i32
      %lt3A_386 = arith.cmpi slt, %add3A_385, %select_n3A : i32
      %convert_element_type3A_387 = arith.extui %lt3A_386 : i1 to i32
      %cond3A_388 = arith.constant 0 : i32
      %cond3A_389 = arith.cmpi ne, %convert_element_type3A_387, %cond3A_388 : i32
      scf.if %cond3A_389 {
        %add3A_396 = arith.constant 0 : i32
        %add3A_397 = arith.addi %add3A_273, %add3A_396 : i32
        %dma_wait3A = arith.constant 2 : i32
        %dma_wait3A_398 = arith.constant 0 : i32
        %dma_wait3A_399 = arith.constant 0 : i32
        %dma_wait3A_400 = tpu.memref_slice %arg9[%dma_wait3A, %dma_wait3A_398, %dma_wait3A_399] : memref<4x16x1024xf32, #tpu.memory_space<vmem>> -> memref<1x16x1024xf32, #tpu.memory_space<vmem>>
        %dma_wait3A_401 = tpu.memref_squeeze %dma_wait3A_400 : memref<1x16x1024xf32, #tpu.memory_space<vmem>> -> memref<16x1024xf32, #tpu.memory_space<vmem>>
        %dma_wait3A_402 = arith.constant 0 : i32
        %dma_wait3A_403 = tpu.memref_slice %arg7[%add3A_397, %dma_wait3A_402] : memref<33x16xi32, #tpu.memory_space<vmem>> -> memref<1x16xi32, #tpu.memory_space<vmem>>
        %dma_wait3A_404 = tpu.memref_squeeze %dma_wait3A_403 : memref<1x16xi32, #tpu.memory_space<vmem>> -> memref<16xi32, #tpu.memory_space<vmem>>
        %dma_wait3A_405 = arith.constant 0 : i32
        %dma_wait3A_406 = arith.constant 0 : i32
        %dma_wait3A_407 = tpu.memref_slice %arg3[%dma_wait3A_405, %dma_wait3A_406] : memref<16384x1024xf32, #tpu.memory_space<hbm>> -> memref<16384x1024xf32, #tpu.memory_space<hbm>>
        tpu.wait_indirect_dma semaphore(%arg13 : memref<!tpu.dma_semaphore, #tpu.memory_space<semaphore_mem>>) src(%dma_wait3A_407 : memref<16384x1024xf32, #tpu.memory_space<hbm>>) dst(%dma_wait3A_401 : memref<16x1024xf32, #tpu.memory_space<vmem>>)
        %add3A_408 = arith.constant 0 : i32
        %add3A_409 = arith.addi %add3A_273, %add3A_408 : i32
        %dma_start3A = arith.constant 2 : i32
        %dma_start3A_410 = arith.constant 0 : i32
        %dma_start3A_411 = arith.constant 0 : i32
        %dma_start3A_412 = tpu.memref_slice %arg9[%dma_start3A, %dma_start3A_410, %dma_start3A_411] : memref<4x16x1024xf32, #tpu.memory_space<vmem>> -> memref<1x16x1024xf32, #tpu.memory_space<vmem>>
        %dma_start3A_413 = tpu.memref_squeeze %dma_start3A_412 : memref<1x16x1024xf32, #tpu.memory_space<vmem>> -> memref<16x1024xf32, #tpu.memory_space<vmem>>
        %dma_start3A_414 = arith.constant 0 : i32
        %dma_start3A_415 = tpu.memref_slice %arg7[%add3A_409, %dma_start3A_414] : memref<33x16xi32, #tpu.memory_space<vmem>> -> memref<1x16xi32, #tpu.memory_space<vmem>>
        %dma_start3A_416 = tpu.memref_squeeze %dma_start3A_415 : memref<1x16xi32, #tpu.memory_space<vmem>> -> memref<16xi32, #tpu.memory_space<vmem>>
        %dma_start3A_417 = arith.constant 0 : i32
        %dma_start3A_418 = arith.constant 0 : i32
        %dma_start3A_419 = tpu.memref_slice %arg5[%dma_start3A_417, %dma_start3A_418] : memref<16384x1024xf32, #tpu.memory_space<hbm>> -> memref<16384x1024xf32, #tpu.memory_space<hbm>>
        tpu.enqueue_indirect_dma source(%dma_start3A_413 : memref<16x1024xf32, #tpu.memory_space<vmem>>) target(%dma_start3A_419 : memref<16384x1024xf32, #tpu.memory_space<hbm>>) offsets(%dma_start3A_416 : memref<16xi32, #tpu.memory_space<vmem>>) semaphore(%arg17 : memref<!tpu.dma_semaphore, #tpu.memory_space<semaphore_mem>>)
      } else {
      }
      %add3A_390 = arith.constant 1 : i32
      %add3A_391 = arith.addi %add3A_273, %add3A_390 : i32
      %lt3A_392 = arith.cmpi slt, %add3A_391, %select_n3A : i32
      %convert_element_type3A_393 = arith.extui %lt3A_392 : i1 to i32
      %cond3A_394 = arith.constant 0 : i32
      %cond3A_395 = arith.cmpi ne, %convert_element_type3A_393, %cond3A_394 : i32
      scf.if %cond3A_395 {
        %add3A_396 = arith.constant 1 : i32
        %add3A_397 = arith.addi %add3A_273, %add3A_396 : i32
        %dma_wait3A = arith.constant 3 : i32
        %dma_wait3A_398 = arith.constant 0 : i32
        %dma_wait3A_399 = arith.constant 0 : i32
        %dma_wait3A_400 = tpu.memref_slice %arg9[%dma_wait3A, %dma_wait3A_398, %dma_wait3A_399] : memref<4x16x1024xf32, #tpu.memory_space<vmem>> -> memref<1x16x1024xf32, #tpu.memory_space<vmem>>
        %dma_wait3A_401 = tpu.memref_squeeze %dma_wait3A_400 : memref<1x16x1024xf32, #tpu.memory_space<vmem>> -> memref<16x1024xf32, #tpu.memory_space<vmem>>
        %dma_wait3A_402 = arith.constant 0 : i32
        %dma_wait3A_403 = tpu.memref_slice %arg7[%add3A_397, %dma_wait3A_402] : memref<33x16xi32, #tpu.memory_space<vmem>> -> memref<1x16xi32, #tpu.memory_space<vmem>>
        %dma_wait3A_404 = tpu.memref_squeeze %dma_wait3A_403 : memref<1x16xi32, #tpu.memory_space<vmem>> -> memref<16xi32, #tpu.memory_space<vmem>>
        %dma_wait3A_405 = arith.constant 0 : i32
        %dma_wait3A_406 = arith.constant 0 : i32
        %dma_wait3A_407 = tpu.memref_slice %arg3[%dma_wait3A_405, %dma_wait3A_406] : memref<16384x1024xf32, #tpu.memory_space<hbm>> -> memref<16384x1024xf32, #tpu.memory_space<hbm>>
        tpu.wait_indirect_dma semaphore(%arg14 : memref<!tpu.dma_semaphore, #tpu.memory_space<semaphore_mem>>) src(%dma_wait3A_407 : memref<16384x1024xf32, #tpu.memory_space<hbm>>) dst(%dma_wait3A_401 : memref<16x1024xf32, #tpu.memory_space<vmem>>)
        %add3A_408 = arith.constant 1 : i32
        %add3A_409 = arith.addi %add3A_273, %add3A_408 : i32
        %dma_start3A = arith.constant 3 : i32
        %dma_start3A_410 = arith.constant 0 : i32
        %dma_start3A_411 = arith.constant 0 : i32
        %dma_start3A_412 = tpu.memref_slice %arg9[%dma_start3A, %dma_start3A_410, %dma_start3A_411] : memref<4x16x1024xf32, #tpu.memory_space<vmem>> -> memref<1x16x1024xf32, #tpu.memory_space<vmem>>
        %dma_start3A_413 = tpu.memref_squeeze %dma_start3A_412 : memref<1x16x1024xf32, #tpu.memory_space<vmem>> -> memref<16x1024xf32, #tpu.memory_space<vmem>>
        %dma_start3A_414 = arith.constant 0 : i32
        %dma_start3A_415 = tpu.memref_slice %arg7[%add3A_409, %dma_start3A_414] : memref<33x16xi32, #tpu.memory_space<vmem>> -> memref<1x16xi32, #tpu.memory_space<vmem>>
        %dma_start3A_416 = tpu.memref_squeeze %dma_start3A_415 : memref<1x16xi32, #tpu.memory_space<vmem>> -> memref<16xi32, #tpu.memory_space<vmem>>
        %dma_start3A_417 = arith.constant 0 : i32
        %dma_start3A_418 = arith.constant 0 : i32
        %dma_start3A_419 = tpu.memref_slice %arg5[%dma_start3A_417, %dma_start3A_418] : memref<16384x1024xf32, #tpu.memory_space<hbm>> -> memref<16384x1024xf32, #tpu.memory_space<hbm>>
        tpu.enqueue_indirect_dma source(%dma_start3A_413 : memref<16x1024xf32, #tpu.memory_space<vmem>>) target(%dma_start3A_419 : memref<16384x1024xf32, #tpu.memory_space<hbm>>) offsets(%dma_start3A_416 : memref<16xi32, #tpu.memory_space<vmem>>) semaphore(%arg18 : memref<!tpu.dma_semaphore, #tpu.memory_space<semaphore_mem>>)
      } else {
      }
    }
    %scan3A_81 = arith.constant 8 : i32
    %gt3A = arith.constant 28 : i32
    %gt3A_82 = arith.cmpi sgt, %select_n3A, %gt3A : i32
    %and3A_83 = arith.constant true
    %and3A_84 = arith.andi %and3A_83, %gt3A_82 : i1
    %convert_element_type3A = arith.extui %and3A_84 : i1 to i32
    %cond3A = arith.constant 0 : i32
    %cond3A_85 = arith.cmpi ne, %convert_element_type3A, %cond3A : i32
    scf.if %cond3A_85 {
      %dma_wait3A = arith.constant 0 : i32
      %dma_wait3A_267 = arith.constant 28 : i32
      %dma_wait3A_268 = arith.constant 0 : i32
      %dma_wait3A_269 = arith.constant 0 : i32
      %dma_wait3A_270 = tpu.memref_slice %arg9[%dma_wait3A, %dma_wait3A_268, %dma_wait3A_269] : memref<4x16x1024xf32, #tpu.memory_space<vmem>> -> memref<1x16x1024xf32, #tpu.memory_space<vmem>>
      %dma_wait3A_271 = tpu.memref_squeeze %dma_wait3A_270 : memref<1x16x1024xf32, #tpu.memory_space<vmem>> -> memref<16x1024xf32, #tpu.memory_space<vmem>>
      %dma_wait3A_272 = arith.constant 0 : i32
      %dma_wait3A_273 = tpu.memref_slice %arg7[%dma_wait3A_267, %dma_wait3A_272] : memref<33x16xi32, #tpu.memory_space<vmem>> -> memref<1x16xi32, #tpu.memory_space<vmem>>
      %dma_wait3A_274 = tpu.memref_squeeze %dma_wait3A_273 : memref<1x16xi32, #tpu.memory_space<vmem>> -> memref<16xi32, #tpu.memory_space<vmem>>
      %dma_wait3A_275 = arith.constant 0 : i32
      %dma_wait3A_276 = arith.constant 0 : i32
      %dma_wait3A_277 = tpu.memref_slice %arg5[%dma_wait3A_275, %dma_wait3A_276] : memref<16384x1024xf32, #tpu.memory_space<hbm>> -> memref<16384x1024xf32, #tpu.memory_space<hbm>>
      tpu.wait_indirect_dma semaphore(%arg15 : memref<!tpu.dma_semaphore, #tpu.memory_space<semaphore_mem>>) src(%dma_wait3A_271 : memref<16x1024xf32, #tpu.memory_space<vmem>>) dst(%dma_wait3A_277 : memref<16384x1024xf32, #tpu.memory_space<hbm>>)
    } else {
    }
    %gt3A_86 = arith.constant 29 : i32
    %gt3A_87 = arith.cmpi sgt, %select_n3A, %gt3A_86 : i32
    %and3A_88 = arith.constant true
    %and3A_89 = arith.andi %and3A_88, %gt3A_87 : i1
    %convert_element_type3A_90 = arith.extui %and3A_89 : i1 to i32
    %cond3A_91 = arith.constant 0 : i32
    %cond3A_92 = arith.cmpi ne, %convert_element_type3A_90, %cond3A_91 : i32
    scf.if %cond3A_92 {
      %dma_wait3A = arith.constant 1 : i32
      %dma_wait3A_267 = arith.constant 29 : i32
      %dma_wait3A_268 = arith.constant 0 : i32
      %dma_wait3A_269 = arith.constant 0 : i32
      %dma_wait3A_270 = tpu.memref_slice %arg9[%dma_wait3A, %dma_wait3A_268, %dma_wait3A_269] : memref<4x16x1024xf32, #tpu.memory_space<vmem>> -> memref<1x16x1024xf32, #tpu.memory_space<vmem>>
      %dma_wait3A_271 = tpu.memref_squeeze %dma_wait3A_270 : memref<1x16x1024xf32, #tpu.memory_space<vmem>> -> memref<16x1024xf32, #tpu.memory_space<vmem>>
      %dma_wait3A_272 = arith.constant 0 : i32
      %dma_wait3A_273 = tpu.memref_slice %arg7[%dma_wait3A_267, %dma_wait3A_272] : memref<33x16xi32, #tpu.memory_space<vmem>> -> memref<1x16xi32, #tpu.memory_space<vmem>>
      %dma_wait3A_274 = tpu.memref_squeeze %dma_wait3A_273 : memref<1x16xi32, #tpu.memory_space<vmem>> -> memref<16xi32, #tpu.memory_space<vmem>>
      %dma_wait3A_275 = arith.constant 0 : i32
      %dma_wait3A_276 = arith.constant 0 : i32
      %dma_wait3A_277 = tpu.memref_slice %arg5[%dma_wait3A_275, %dma_wait3A_276] : memref<16384x1024xf32, #tpu.memory_space<hbm>> -> memref<16384x1024xf32, #tpu.memory_space<hbm>>
      tpu.wait_indirect_dma semaphore(%arg16 : memref<!tpu.dma_semaphore, #tpu.memory_space<semaphore_mem>>) src(%dma_wait3A_271 : memref<16x1024xf32, #tpu.memory_space<vmem>>) dst(%dma_wait3A_277 : memref<16384x1024xf32, #tpu.memory_space<hbm>>)
    } else {
    }
    %gt3A_93 = arith.constant 30 : i32
    %gt3A_94 = arith.cmpi sgt, %select_n3A, %gt3A_93 : i32
    %and3A_95 = arith.constant true
    %and3A_96 = arith.andi %and3A_95, %gt3A_94 : i1
    %convert_element_type3A_97 = arith.extui %and3A_96 : i1 to i32
    %cond3A_98 = arith.constant 0 : i32
    %cond3A_99 = arith.cmpi ne, %convert_element_type3A_97, %cond3A_98 : i32
    scf.if %cond3A_99 {
      %dma_wait3A = arith.constant 2 : i32
      %dma_wait3A_267 = arith.constant 30 : i32
      %dma_wait3A_268 = arith.constant 0 : i32
      %dma_wait3A_269 = arith.constant 0 : i32
      %dma_wait3A_270 = tpu.memref_slice %arg9[%dma_wait3A, %dma_wait3A_268, %dma_wait3A_269] : memref<4x16x1024xf32, #tpu.memory_space<vmem>> -> memref<1x16x1024xf32, #tpu.memory_space<vmem>>
      %dma_wait3A_271 = tpu.memref_squeeze %dma_wait3A_270 : memref<1x16x1024xf32, #tpu.memory_space<vmem>> -> memref<16x1024xf32, #tpu.memory_space<vmem>>
      %dma_wait3A_272 = arith.constant 0 : i32
      %dma_wait3A_273 = tpu.memref_slice %arg7[%dma_wait3A_267, %dma_wait3A_272] : memref<33x16xi32, #tpu.memory_space<vmem>> -> memref<1x16xi32, #tpu.memory_space<vmem>>
      %dma_wait3A_274 = tpu.memref_squeeze %dma_wait3A_273 : memref<1x16xi32, #tpu.memory_space<vmem>> -> memref<16xi32, #tpu.memory_space<vmem>>
      %dma_wait3A_275 = arith.constant 0 : i32
      %dma_wait3A_276 = arith.constant 0 : i32
      %dma_wait3A_277 = tpu.memref_slice %arg5[%dma_wait3A_275, %dma_wait3A_276] : memref<16384x1024xf32, #tpu.memory_space<hbm>> -> memref<16384x1024xf32, #tpu.memory_space<hbm>>
      tpu.wait_indirect_dma semaphore(%arg17 : memref<!tpu.dma_semaphore, #tpu.memory_space<semaphore_mem>>) src(%dma_wait3A_271 : memref<16x1024xf32, #tpu.memory_space<vmem>>) dst(%dma_wait3A_277 : memref<16384x1024xf32, #tpu.memory_space<hbm>>)
    } else {
    }
    %gt3A_100 = arith.constant 31 : i32
    %gt3A_101 = arith.cmpi sgt, %select_n3A, %gt3A_100 : i32
    %and3A_102 = arith.constant true
    %and3A_103 = arith.andi %and3A_102, %gt3A_101 : i1
    %convert_element_type3A_104 = arith.extui %and3A_103 : i1 to i32
    %cond3A_105 = arith.constant 0 : i32
    %cond3A_106 = arith.cmpi ne, %convert_element_type3A_104, %cond3A_105 : i32
    scf.if %cond3A_106 {
      %dma_wait3A = arith.constant 3 : i32
      %dma_wait3A_267 = arith.constant 31 : i32
      %dma_wait3A_268 = arith.constant 0 : i32
      %dma_wait3A_269 = arith.constant 0 : i32
      %dma_wait3A_270 = tpu.memref_slice %arg9[%dma_wait3A, %dma_wait3A_268, %dma_wait3A_269] : memref<4x16x1024xf32, #tpu.memory_space<vmem>> -> memref<1x16x1024xf32, #tpu.memory_space<vmem>>
      %dma_wait3A_271 = tpu.memref_squeeze %dma_wait3A_270 : memref<1x16x1024xf32, #tpu.memory_space<vmem>> -> memref<16x1024xf32, #tpu.memory_space<vmem>>
      %dma_wait3A_272 = arith.constant 0 : i32
      %dma_wait3A_273 = tpu.memref_slice %arg7[%dma_wait3A_267, %dma_wait3A_272] : memref<33x16xi32, #tpu.memory_space<vmem>> -> memref<1x16xi32, #tpu.memory_space<vmem>>
      %dma_wait3A_274 = tpu.memref_squeeze %dma_wait3A_273 : memref<1x16xi32, #tpu.memory_space<vmem>> -> memref<16xi32, #tpu.memory_space<vmem>>
      %dma_wait3A_275 = arith.constant 0 : i32
      %dma_wait3A_276 = arith.constant 0 : i32
      %dma_wait3A_277 = tpu.memref_slice %arg5[%dma_wait3A_275, %dma_wait3A_276] : memref<16384x1024xf32, #tpu.memory_space<hbm>> -> memref<16384x1024xf32, #tpu.memory_space<hbm>>
      tpu.wait_indirect_dma semaphore(%arg18 : memref<!tpu.dma_semaphore, #tpu.memory_space<semaphore_mem>>) src(%dma_wait3A_271 : memref<16x1024xf32, #tpu.memory_space<vmem>>) dst(%dma_wait3A_277 : memref<16384x1024xf32, #tpu.memory_space<hbm>>)
    } else {
    }
    %gt3A_107 = arith.constant 0 : i32
    %gt3A_108 = arith.cmpi sgt, %select_n3A_75, %gt3A_107 : i32
    %convert_element_type3A_109 = arith.extui %gt3A_108 : i1 to i32
    %cond3A_110 = arith.constant 0 : i32
    %cond3A_111 = arith.cmpi ne, %convert_element_type3A_109, %cond3A_110 : i32
    scf.if %cond3A_111 {
      %dma_wait3A = arith.constant 0 : i32
      %dma_wait3A_267 = arith.constant 0 : i32
      %dma_wait3A_268 = tpu.memref_slice %arg8[%dma_wait3A, %dma_wait3A_267] : memref<33x16xi32, #tpu.memory_space<vmem>> -> memref<1x16xi32, #tpu.memory_space<vmem>>
      %dma_wait3A_269 = tpu.memref_squeeze %dma_wait3A_268 : memref<1x16xi32, #tpu.memory_space<vmem>> -> memref<16xi32, #tpu.memory_space<vmem>>
      %dma_wait3A_270 = arith.constant 0 : i32
      %dma_wait3A_271 = arith.constant 0 : i32
      %dma_wait3A_272 = tpu.memref_slice %arg5[%dma_wait3A_270, %dma_wait3A_271] : memref<16384x1024xf32, #tpu.memory_space<hbm>> -> memref<16384x1024xf32, #tpu.memory_space<hbm>>
      tpu.wait_indirect_dma semaphore(%arg19 : memref<!tpu.dma_semaphore, #tpu.memory_space<semaphore_mem>>) src(%arg10 : memref<16x1024xf32, #tpu.memory_space<vmem>>) dst(%dma_wait3A_272 : memref<16384x1024xf32, #tpu.memory_space<hbm>>)
    } else {
    }
    %gt3A_112 = arith.constant 1 : i32
    %gt3A_113 = arith.cmpi sgt, %select_n3A_75, %gt3A_112 : i32
    %convert_element_type3A_114 = arith.extui %gt3A_113 : i1 to i32
    %cond3A_115 = arith.constant 0 : i32
    %cond3A_116 = arith.cmpi ne, %convert_element_type3A_114, %cond3A_115 : i32
    scf.if %cond3A_116 {
      %dma_wait3A = arith.constant 1 : i32
      %dma_wait3A_267 = arith.constant 0 : i32
      %dma_wait3A_268 = tpu.memref_slice %arg8[%dma_wait3A, %dma_wait3A_267] : memref<33x16xi32, #tpu.memory_space<vmem>> -> memref<1x16xi32, #tpu.memory_space<vmem>>
      %dma_wait3A_269 = tpu.memref_squeeze %dma_wait3A_268 : memref<1x16xi32, #tpu.memory_space<vmem>> -> memref<16xi32, #tpu.memory_space<vmem>>
      %dma_wait3A_270 = arith.constant 0 : i32
      %dma_wait3A_271 = arith.constant 0 : i32
      %dma_wait3A_272 = tpu.memref_slice %arg5[%dma_wait3A_270, %dma_wait3A_271] : memref<16384x1024xf32, #tpu.memory_space<hbm>> -> memref<16384x1024xf32, #tpu.memory_space<hbm>>
      tpu.wait_indirect_dma semaphore(%arg19 : memref<!tpu.dma_semaphore, #tpu.memory_space<semaphore_mem>>) src(%arg10 : memref<16x1024xf32, #tpu.memory_space<vmem>>) dst(%dma_wait3A_272 : memref<16384x1024xf32, #tpu.memory_space<hbm>>)
    } else {
    }
    %gt3A_117 = arith.constant 2 : i32
    %gt3A_118 = arith.cmpi sgt, %select_n3A_75, %gt3A_117 : i32
    %convert_element_type3A_119 = arith.extui %gt3A_118 : i1 to i32
    %cond3A_120 = arith.constant 0 : i32
    %cond3A_121 = arith.cmpi ne, %convert_element_type3A_119, %cond3A_120 : i32
    scf.if %cond3A_121 {
      %dma_wait3A = arith.constant 2 : i32
      %dma_wait3A_267 = arith.constant 0 : i32
      %dma_wait3A_268 = tpu.memref_slice %arg8[%dma_wait3A, %dma_wait3A_267] : memref<33x16xi32, #tpu.memory_space<vmem>> -> memref<1x16xi32, #tpu.memory_space<vmem>>
      %dma_wait3A_269 = tpu.memref_squeeze %dma_wait3A_268 : memref<1x16xi32, #tpu.memory_space<vmem>> -> memref<16xi32, #tpu.memory_space<vmem>>
      %dma_wait3A_270 = arith.constant 0 : i32
      %dma_wait3A_271 = arith.constant 0 : i32
      %dma_wait3A_272 = tpu.memref_slice %arg5[%dma_wait3A_270, %dma_wait3A_271] : memref<16384x1024xf32, #tpu.memory_space<hbm>> -> memref<16384x1024xf32, #tpu.memory_space<hbm>>
      tpu.wait_indirect_dma semaphore(%arg19 : memref<!tpu.dma_semaphore, #tpu.memory_space<semaphore_mem>>) src(%arg10 : memref<16x1024xf32, #tpu.memory_space<vmem>>) dst(%dma_wait3A_272 : memref<16384x1024xf32, #tpu.memory_space<hbm>>)
    } else {
    }
    %gt3A_122 = arith.constant 3 : i32
    %gt3A_123 = arith.cmpi sgt, %select_n3A_75, %gt3A_122 : i32
    %convert_element_type3A_124 = arith.extui %gt3A_123 : i1 to i32
    %cond3A_125 = arith.constant 0 : i32
    %cond3A_126 = arith.cmpi ne, %convert_element_type3A_124, %cond3A_125 : i32
    scf.if %cond3A_126 {
      %dma_wait3A = arith.constant 3 : i32
      %dma_wait3A_267 = arith.constant 0 : i32
      %dma_wait3A_268 = tpu.memref_slice %arg8[%dma_wait3A, %dma_wait3A_267] : memref<33x16xi32, #tpu.memory_space<vmem>> -> memref<1x16xi32, #tpu.memory_space<vmem>>
      %dma_wait3A_269 = tpu.memref_squeeze %dma_wait3A_268 : memref<1x16xi32, #tpu.memory_space<vmem>> -> memref<16xi32, #tpu.memory_space<vmem>>
      %dma_wait3A_270 = arith.constant 0 : i32
      %dma_wait3A_271 = arith.constant 0 : i32
      %dma_wait3A_272 = tpu.memref_slice %arg5[%dma_wait3A_270, %dma_wait3A_271] : memref<16384x1024xf32, #tpu.memory_space<hbm>> -> memref<16384x1024xf32, #tpu.memory_space<hbm>>
      tpu.wait_indirect_dma semaphore(%arg19 : memref<!tpu.dma_semaphore, #tpu.memory_space<semaphore_mem>>) src(%arg10 : memref<16x1024xf32, #tpu.memory_space<vmem>>) dst(%dma_wait3A_272 : memref<16384x1024xf32, #tpu.memory_space<hbm>>)
    } else {
    }
    %gt3A_127 = arith.constant 4 : i32
    %gt3A_128 = arith.cmpi sgt, %select_n3A_75, %gt3A_127 : i32
    %convert_element_type3A_129 = arith.extui %gt3A_128 : i1 to i32
    %cond3A_130 = arith.constant 0 : i32
    %cond3A_131 = arith.cmpi ne, %convert_element_type3A_129, %cond3A_130 : i32
    scf.if %cond3A_131 {
      %dma_wait3A = arith.constant 4 : i32
      %dma_wait3A_267 = arith.constant 0 : i32
      %dma_wait3A_268 = tpu.memref_slice %arg8[%dma_wait3A, %dma_wait3A_267] : memref<33x16xi32, #tpu.memory_space<vmem>> -> memref<1x16xi32, #tpu.memory_space<vmem>>
      %dma_wait3A_269 = tpu.memref_squeeze %dma_wait3A_268 : memref<1x16xi32, #tpu.memory_space<vmem>> -> memref<16xi32, #tpu.memory_space<vmem>>
      %dma_wait3A_270 = arith.constant 0 : i32
      %dma_wait3A_271 = arith.constant 0 : i32
      %dma_wait3A_272 = tpu.memref_slice %arg5[%dma_wait3A_270, %dma_wait3A_271] : memref<16384x1024xf32, #tpu.memory_space<hbm>> -> memref<16384x1024xf32, #tpu.memory_space<hbm>>
      tpu.wait_indirect_dma semaphore(%arg19 : memref<!tpu.dma_semaphore, #tpu.memory_space<semaphore_mem>>) src(%arg10 : memref<16x1024xf32, #tpu.memory_space<vmem>>) dst(%dma_wait3A_272 : memref<16384x1024xf32, #tpu.memory_space<hbm>>)
    } else {
    }
    %gt3A_132 = arith.constant 5 : i32
    %gt3A_133 = arith.cmpi sgt, %select_n3A_75, %gt3A_132 : i32
    %convert_element_type3A_134 = arith.extui %gt3A_133 : i1 to i32
    %cond3A_135 = arith.constant 0 : i32
    %cond3A_136 = arith.cmpi ne, %convert_element_type3A_134, %cond3A_135 : i32
    scf.if %cond3A_136 {
      %dma_wait3A = arith.constant 5 : i32
      %dma_wait3A_267 = arith.constant 0 : i32
      %dma_wait3A_268 = tpu.memref_slice %arg8[%dma_wait3A, %dma_wait3A_267] : memref<33x16xi32, #tpu.memory_space<vmem>> -> memref<1x16xi32, #tpu.memory_space<vmem>>
      %dma_wait3A_269 = tpu.memref_squeeze %dma_wait3A_268 : memref<1x16xi32, #tpu.memory_space<vmem>> -> memref<16xi32, #tpu.memory_space<vmem>>
      %dma_wait3A_270 = arith.constant 0 : i32
      %dma_wait3A_271 = arith.constant 0 : i32
      %dma_wait3A_272 = tpu.memref_slice %arg5[%dma_wait3A_270, %dma_wait3A_271] : memref<16384x1024xf32, #tpu.memory_space<hbm>> -> memref<16384x1024xf32, #tpu.memory_space<hbm>>
      tpu.wait_indirect_dma semaphore(%arg19 : memref<!tpu.dma_semaphore, #tpu.memory_space<semaphore_mem>>) src(%arg10 : memref<16x1024xf32, #tpu.memory_space<vmem>>) dst(%dma_wait3A_272 : memref<16384x1024xf32, #tpu.memory_space<hbm>>)
    } else {
    }
    %gt3A_137 = arith.constant 6 : i32
    %gt3A_138 = arith.cmpi sgt, %select_n3A_75, %gt3A_137 : i32
    %convert_element_type3A_139 = arith.extui %gt3A_138 : i1 to i32
    %cond3A_140 = arith.constant 0 : i32
    %cond3A_141 = arith.cmpi ne, %convert_element_type3A_139, %cond3A_140 : i32
    scf.if %cond3A_141 {
      %dma_wait3A = arith.constant 6 : i32
      %dma_wait3A_267 = arith.constant 0 : i32
      %dma_wait3A_268 = tpu.memref_slice %arg8[%dma_wait3A, %dma_wait3A_267] : memref<33x16xi32, #tpu.memory_space<vmem>> -> memref<1x16xi32, #tpu.memory_space<vmem>>
      %dma_wait3A_269 = tpu.memref_squeeze %dma_wait3A_268 : memref<1x16xi32, #tpu.memory_space<vmem>> -> memref<16xi32, #tpu.memory_space<vmem>>
      %dma_wait3A_270 = arith.constant 0 : i32
      %dma_wait3A_271 = arith.constant 0 : i32
      %dma_wait3A_272 = tpu.memref_slice %arg5[%dma_wait3A_270, %dma_wait3A_271] : memref<16384x1024xf32, #tpu.memory_space<hbm>> -> memref<16384x1024xf32, #tpu.memory_space<hbm>>
      tpu.wait_indirect_dma semaphore(%arg19 : memref<!tpu.dma_semaphore, #tpu.memory_space<semaphore_mem>>) src(%arg10 : memref<16x1024xf32, #tpu.memory_space<vmem>>) dst(%dma_wait3A_272 : memref<16384x1024xf32, #tpu.memory_space<hbm>>)
    } else {
    }
    %gt3A_142 = arith.constant 7 : i32
    %gt3A_143 = arith.cmpi sgt, %select_n3A_75, %gt3A_142 : i32
    %convert_element_type3A_144 = arith.extui %gt3A_143 : i1 to i32
    %cond3A_145 = arith.constant 0 : i32
    %cond3A_146 = arith.cmpi ne, %convert_element_type3A_144, %cond3A_145 : i32
    scf.if %cond3A_146 {
      %dma_wait3A = arith.constant 7 : i32
      %dma_wait3A_267 = arith.constant 0 : i32
      %dma_wait3A_268 = tpu.memref_slice %arg8[%dma_wait3A, %dma_wait3A_267] : memref<33x16xi32, #tpu.memory_space<vmem>> -> memref<1x16xi32, #tpu.memory_space<vmem>>
      %dma_wait3A_269 = tpu.memref_squeeze %dma_wait3A_268 : memref<1x16xi32, #tpu.memory_space<vmem>> -> memref<16xi32, #tpu.memory_space<vmem>>
      %dma_wait3A_270 = arith.constant 0 : i32
      %dma_wait3A_271 = arith.constant 0 : i32
      %dma_wait3A_272 = tpu.memref_slice %arg5[%dma_wait3A_270, %dma_wait3A_271] : memref<16384x1024xf32, #tpu.memory_space<hbm>> -> memref<16384x1024xf32, #tpu.memory_space<hbm>>
      tpu.wait_indirect_dma semaphore(%arg19 : memref<!tpu.dma_semaphore, #tpu.memory_space<semaphore_mem>>) src(%arg10 : memref<16x1024xf32, #tpu.memory_space<vmem>>) dst(%dma_wait3A_272 : memref<16384x1024xf32, #tpu.memory_space<hbm>>)
    } else {
    }
    %gt3A_147 = arith.constant 8 : i32
    %gt3A_148 = arith.cmpi sgt, %select_n3A_75, %gt3A_147 : i32
    %convert_element_type3A_149 = arith.extui %gt3A_148 : i1 to i32
    %cond3A_150 = arith.constant 0 : i32
    %cond3A_151 = arith.cmpi ne, %convert_element_type3A_149, %cond3A_150 : i32
    scf.if %cond3A_151 {
      %dma_wait3A = arith.constant 8 : i32
      %dma_wait3A_267 = arith.constant 0 : i32
      %dma_wait3A_268 = tpu.memref_slice %arg8[%dma_wait3A, %dma_wait3A_267] : memref<33x16xi32, #tpu.memory_space<vmem>> -> memref<1x16xi32, #tpu.memory_space<vmem>>
      %dma_wait3A_269 = tpu.memref_squeeze %dma_wait3A_268 : memref<1x16xi32, #tpu.memory_space<vmem>> -> memref<16xi32, #tpu.memory_space<vmem>>
      %dma_wait3A_270 = arith.constant 0 : i32
      %dma_wait3A_271 = arith.constant 0 : i32
      %dma_wait3A_272 = tpu.memref_slice %arg5[%dma_wait3A_270, %dma_wait3A_271] : memref<16384x1024xf32, #tpu.memory_space<hbm>> -> memref<16384x1024xf32, #tpu.memory_space<hbm>>
      tpu.wait_indirect_dma semaphore(%arg19 : memref<!tpu.dma_semaphore, #tpu.memory_space<semaphore_mem>>) src(%arg10 : memref<16x1024xf32, #tpu.memory_space<vmem>>) dst(%dma_wait3A_272 : memref<16384x1024xf32, #tpu.memory_space<hbm>>)
    } else {
    }
    %gt3A_152 = arith.constant 9 : i32
    %gt3A_153 = arith.cmpi sgt, %select_n3A_75, %gt3A_152 : i32
    %convert_element_type3A_154 = arith.extui %gt3A_153 : i1 to i32
    %cond3A_155 = arith.constant 0 : i32
    %cond3A_156 = arith.cmpi ne, %convert_element_type3A_154, %cond3A_155 : i32
    scf.if %cond3A_156 {
      %dma_wait3A = arith.constant 9 : i32
      %dma_wait3A_267 = arith.constant 0 : i32
      %dma_wait3A_268 = tpu.memref_slice %arg8[%dma_wait3A, %dma_wait3A_267] : memref<33x16xi32, #tpu.memory_space<vmem>> -> memref<1x16xi32, #tpu.memory_space<vmem>>
      %dma_wait3A_269 = tpu.memref_squeeze %dma_wait3A_268 : memref<1x16xi32, #tpu.memory_space<vmem>> -> memref<16xi32, #tpu.memory_space<vmem>>
      %dma_wait3A_270 = arith.constant 0 : i32
      %dma_wait3A_271 = arith.constant 0 : i32
      %dma_wait3A_272 = tpu.memref_slice %arg5[%dma_wait3A_270, %dma_wait3A_271] : memref<16384x1024xf32, #tpu.memory_space<hbm>> -> memref<16384x1024xf32, #tpu.memory_space<hbm>>
      tpu.wait_indirect_dma semaphore(%arg19 : memref<!tpu.dma_semaphore, #tpu.memory_space<semaphore_mem>>) src(%arg10 : memref<16x1024xf32, #tpu.memory_space<vmem>>) dst(%dma_wait3A_272 : memref<16384x1024xf32, #tpu.memory_space<hbm>>)
    } else {
    }
    %gt3A_157 = arith.constant 10 : i32
    %gt3A_158 = arith.cmpi sgt, %select_n3A_75, %gt3A_157 : i32
    %convert_element_type3A_159 = arith.extui %gt3A_158 : i1 to i32
    %cond3A_160 = arith.constant 0 : i32
    %cond3A_161 = arith.cmpi ne, %convert_element_type3A_159, %cond3A_160 : i32
    scf.if %cond3A_161 {
      %dma_wait3A = arith.constant 10 : i32
      %dma_wait3A_267 = arith.constant 0 : i32
      %dma_wait3A_268 = tpu.memref_slice %arg8[%dma_wait3A, %dma_wait3A_267] : memref<33x16xi32, #tpu.memory_space<vmem>> -> memref<1x16xi32, #tpu.memory_space<vmem>>
      %dma_wait3A_269 = tpu.memref_squeeze %dma_wait3A_268 : memref<1x16xi32, #tpu.memory_space<vmem>> -> memref<16xi32, #tpu.memory_space<vmem>>
      %dma_wait3A_270 = arith.constant 0 : i32
      %dma_wait3A_271 = arith.constant 0 : i32
      %dma_wait3A_272 = tpu.memref_slice %arg5[%dma_wait3A_270, %dma_wait3A_271] : memref<16384x1024xf32, #tpu.memory_space<hbm>> -> memref<16384x1024xf32, #tpu.memory_space<hbm>>
      tpu.wait_indirect_dma semaphore(%arg19 : memref<!tpu.dma_semaphore, #tpu.memory_space<semaphore_mem>>) src(%arg10 : memref<16x1024xf32, #tpu.memory_space<vmem>>) dst(%dma_wait3A_272 : memref<16384x1024xf32, #tpu.memory_space<hbm>>)
    } else {
    }
    %gt3A_162 = arith.constant 11 : i32
    %gt3A_163 = arith.cmpi sgt, %select_n3A_75, %gt3A_162 : i32
    %convert_element_type3A_164 = arith.extui %gt3A_163 : i1 to i32
    %cond3A_165 = arith.constant 0 : i32
    %cond3A_166 = arith.cmpi ne, %convert_element_type3A_164, %cond3A_165 : i32
    scf.if %cond3A_166 {
      %dma_wait3A = arith.constant 11 : i32
      %dma_wait3A_267 = arith.constant 0 : i32
      %dma_wait3A_268 = tpu.memref_slice %arg8[%dma_wait3A, %dma_wait3A_267] : memref<33x16xi32, #tpu.memory_space<vmem>> -> memref<1x16xi32, #tpu.memory_space<vmem>>
      %dma_wait3A_269 = tpu.memref_squeeze %dma_wait3A_268 : memref<1x16xi32, #tpu.memory_space<vmem>> -> memref<16xi32, #tpu.memory_space<vmem>>
      %dma_wait3A_270 = arith.constant 0 : i32
      %dma_wait3A_271 = arith.constant 0 : i32
      %dma_wait3A_272 = tpu.memref_slice %arg5[%dma_wait3A_270, %dma_wait3A_271] : memref<16384x1024xf32, #tpu.memory_space<hbm>> -> memref<16384x1024xf32, #tpu.memory_space<hbm>>
      tpu.wait_indirect_dma semaphore(%arg19 : memref<!tpu.dma_semaphore, #tpu.memory_space<semaphore_mem>>) src(%arg10 : memref<16x1024xf32, #tpu.memory_space<vmem>>) dst(%dma_wait3A_272 : memref<16384x1024xf32, #tpu.memory_space<hbm>>)
    } else {
    }
    %gt3A_167 = arith.constant 12 : i32
    %gt3A_168 = arith.cmpi sgt, %select_n3A_75, %gt3A_167 : i32
    %convert_element_type3A_169 = arith.extui %gt3A_168 : i1 to i32
    %cond3A_170 = arith.constant 0 : i32
    %cond3A_171 = arith.cmpi ne, %convert_element_type3A_169, %cond3A_170 : i32
    scf.if %cond3A_171 {
      %dma_wait3A = arith.constant 12 : i32
      %dma_wait3A_267 = arith.constant 0 : i32
      %dma_wait3A_268 = tpu.memref_slice %arg8[%dma_wait3A, %dma_wait3A_267] : memref<33x16xi32, #tpu.memory_space<vmem>> -> memref<1x16xi32, #tpu.memory_space<vmem>>
      %dma_wait3A_269 = tpu.memref_squeeze %dma_wait3A_268 : memref<1x16xi32, #tpu.memory_space<vmem>> -> memref<16xi32, #tpu.memory_space<vmem>>
      %dma_wait3A_270 = arith.constant 0 : i32
      %dma_wait3A_271 = arith.constant 0 : i32
      %dma_wait3A_272 = tpu.memref_slice %arg5[%dma_wait3A_270, %dma_wait3A_271] : memref<16384x1024xf32, #tpu.memory_space<hbm>> -> memref<16384x1024xf32, #tpu.memory_space<hbm>>
      tpu.wait_indirect_dma semaphore(%arg19 : memref<!tpu.dma_semaphore, #tpu.memory_space<semaphore_mem>>) src(%arg10 : memref<16x1024xf32, #tpu.memory_space<vmem>>) dst(%dma_wait3A_272 : memref<16384x1024xf32, #tpu.memory_space<hbm>>)
    } else {
    }
    %gt3A_172 = arith.constant 13 : i32
    %gt3A_173 = arith.cmpi sgt, %select_n3A_75, %gt3A_172 : i32
    %convert_element_type3A_174 = arith.extui %gt3A_173 : i1 to i32
    %cond3A_175 = arith.constant 0 : i32
    %cond3A_176 = arith.cmpi ne, %convert_element_type3A_174, %cond3A_175 : i32
    scf.if %cond3A_176 {
      %dma_wait3A = arith.constant 13 : i32
      %dma_wait3A_267 = arith.constant 0 : i32
      %dma_wait3A_268 = tpu.memref_slice %arg8[%dma_wait3A, %dma_wait3A_267] : memref<33x16xi32, #tpu.memory_space<vmem>> -> memref<1x16xi32, #tpu.memory_space<vmem>>
      %dma_wait3A_269 = tpu.memref_squeeze %dma_wait3A_268 : memref<1x16xi32, #tpu.memory_space<vmem>> -> memref<16xi32, #tpu.memory_space<vmem>>
      %dma_wait3A_270 = arith.constant 0 : i32
      %dma_wait3A_271 = arith.constant 0 : i32
      %dma_wait3A_272 = tpu.memref_slice %arg5[%dma_wait3A_270, %dma_wait3A_271] : memref<16384x1024xf32, #tpu.memory_space<hbm>> -> memref<16384x1024xf32, #tpu.memory_space<hbm>>
      tpu.wait_indirect_dma semaphore(%arg19 : memref<!tpu.dma_semaphore, #tpu.memory_space<semaphore_mem>>) src(%arg10 : memref<16x1024xf32, #tpu.memory_space<vmem>>) dst(%dma_wait3A_272 : memref<16384x1024xf32, #tpu.memory_space<hbm>>)
    } else {
    }
    %gt3A_177 = arith.constant 14 : i32
    %gt3A_178 = arith.cmpi sgt, %select_n3A_75, %gt3A_177 : i32
    %convert_element_type3A_179 = arith.extui %gt3A_178 : i1 to i32
    %cond3A_180 = arith.constant 0 : i32
    %cond3A_181 = arith.cmpi ne, %convert_element_type3A_179, %cond3A_180 : i32
    scf.if %cond3A_181 {
      %dma_wait3A = arith.constant 14 : i32
      %dma_wait3A_267 = arith.constant 0 : i32
      %dma_wait3A_268 = tpu.memref_slice %arg8[%dma_wait3A, %dma_wait3A_267] : memref<33x16xi32, #tpu.memory_space<vmem>> -> memref<1x16xi32, #tpu.memory_space<vmem>>
      %dma_wait3A_269 = tpu.memref_squeeze %dma_wait3A_268 : memref<1x16xi32, #tpu.memory_space<vmem>> -> memref<16xi32, #tpu.memory_space<vmem>>
      %dma_wait3A_270 = arith.constant 0 : i32
      %dma_wait3A_271 = arith.constant 0 : i32
      %dma_wait3A_272 = tpu.memref_slice %arg5[%dma_wait3A_270, %dma_wait3A_271] : memref<16384x1024xf32, #tpu.memory_space<hbm>> -> memref<16384x1024xf32, #tpu.memory_space<hbm>>
      tpu.wait_indirect_dma semaphore(%arg19 : memref<!tpu.dma_semaphore, #tpu.memory_space<semaphore_mem>>) src(%arg10 : memref<16x1024xf32, #tpu.memory_space<vmem>>) dst(%dma_wait3A_272 : memref<16384x1024xf32, #tpu.memory_space<hbm>>)
    } else {
    }
    %gt3A_182 = arith.constant 15 : i32
    %gt3A_183 = arith.cmpi sgt, %select_n3A_75, %gt3A_182 : i32
    %convert_element_type3A_184 = arith.extui %gt3A_183 : i1 to i32
    %cond3A_185 = arith.constant 0 : i32
    %cond3A_186 = arith.cmpi ne, %convert_element_type3A_184, %cond3A_185 : i32
    scf.if %cond3A_186 {
      %dma_wait3A = arith.constant 15 : i32
      %dma_wait3A_267 = arith.constant 0 : i32
      %dma_wait3A_268 = tpu.memref_slice %arg8[%dma_wait3A, %dma_wait3A_267] : memref<33x16xi32, #tpu.memory_space<vmem>> -> memref<1x16xi32, #tpu.memory_space<vmem>>
      %dma_wait3A_269 = tpu.memref_squeeze %dma_wait3A_268 : memref<1x16xi32, #tpu.memory_space<vmem>> -> memref<16xi32, #tpu.memory_space<vmem>>
      %dma_wait3A_270 = arith.constant 0 : i32
      %dma_wait3A_271 = arith.constant 0 : i32
      %dma_wait3A_272 = tpu.memref_slice %arg5[%dma_wait3A_270, %dma_wait3A_271] : memref<16384x1024xf32, #tpu.memory_space<hbm>> -> memref<16384x1024xf32, #tpu.memory_space<hbm>>
      tpu.wait_indirect_dma semaphore(%arg19 : memref<!tpu.dma_semaphore, #tpu.memory_space<semaphore_mem>>) src(%arg10 : memref<16x1024xf32, #tpu.memory_space<vmem>>) dst(%dma_wait3A_272 : memref<16384x1024xf32, #tpu.memory_space<hbm>>)
    } else {
    }
    %gt3A_187 = arith.constant 16 : i32
    %gt3A_188 = arith.cmpi sgt, %select_n3A_75, %gt3A_187 : i32
    %convert_element_type3A_189 = arith.extui %gt3A_188 : i1 to i32
    %cond3A_190 = arith.constant 0 : i32
    %cond3A_191 = arith.cmpi ne, %convert_element_type3A_189, %cond3A_190 : i32
    scf.if %cond3A_191 {
      %dma_wait3A = arith.constant 16 : i32
      %dma_wait3A_267 = arith.constant 0 : i32
      %dma_wait3A_268 = tpu.memref_slice %arg8[%dma_wait3A, %dma_wait3A_267] : memref<33x16xi32, #tpu.memory_space<vmem>> -> memref<1x16xi32, #tpu.memory_space<vmem>>
      %dma_wait3A_269 = tpu.memref_squeeze %dma_wait3A_268 : memref<1x16xi32, #tpu.memory_space<vmem>> -> memref<16xi32, #tpu.memory_space<vmem>>
      %dma_wait3A_270 = arith.constant 0 : i32
      %dma_wait3A_271 = arith.constant 0 : i32
      %dma_wait3A_272 = tpu.memref_slice %arg5[%dma_wait3A_270, %dma_wait3A_271] : memref<16384x1024xf32, #tpu.memory_space<hbm>> -> memref<16384x1024xf32, #tpu.memory_space<hbm>>
      tpu.wait_indirect_dma semaphore(%arg19 : memref<!tpu.dma_semaphore, #tpu.memory_space<semaphore_mem>>) src(%arg10 : memref<16x1024xf32, #tpu.memory_space<vmem>>) dst(%dma_wait3A_272 : memref<16384x1024xf32, #tpu.memory_space<hbm>>)
    } else {
    }
    %gt3A_192 = arith.constant 17 : i32
    %gt3A_193 = arith.cmpi sgt, %select_n3A_75, %gt3A_192 : i32
    %convert_element_type3A_194 = arith.extui %gt3A_193 : i1 to i32
    %cond3A_195 = arith.constant 0 : i32
    %cond3A_196 = arith.cmpi ne, %convert_element_type3A_194, %cond3A_195 : i32
    scf.if %cond3A_196 {
      %dma_wait3A = arith.constant 17 : i32
      %dma_wait3A_267 = arith.constant 0 : i32
      %dma_wait3A_268 = tpu.memref_slice %arg8[%dma_wait3A, %dma_wait3A_267] : memref<33x16xi32, #tpu.memory_space<vmem>> -> memref<1x16xi32, #tpu.memory_space<vmem>>
      %dma_wait3A_269 = tpu.memref_squeeze %dma_wait3A_268 : memref<1x16xi32, #tpu.memory_space<vmem>> -> memref<16xi32, #tpu.memory_space<vmem>>
      %dma_wait3A_270 = arith.constant 0 : i32
      %dma_wait3A_271 = arith.constant 0 : i32
      %dma_wait3A_272 = tpu.memref_slice %arg5[%dma_wait3A_270, %dma_wait3A_271] : memref<16384x1024xf32, #tpu.memory_space<hbm>> -> memref<16384x1024xf32, #tpu.memory_space<hbm>>
      tpu.wait_indirect_dma semaphore(%arg19 : memref<!tpu.dma_semaphore, #tpu.memory_space<semaphore_mem>>) src(%arg10 : memref<16x1024xf32, #tpu.memory_space<vmem>>) dst(%dma_wait3A_272 : memref<16384x1024xf32, #tpu.memory_space<hbm>>)
    } else {
    }
    %gt3A_197 = arith.constant 18 : i32
    %gt3A_198 = arith.cmpi sgt, %select_n3A_75, %gt3A_197 : i32
    %convert_element_type3A_199 = arith.extui %gt3A_198 : i1 to i32
    %cond3A_200 = arith.constant 0 : i32
    %cond3A_201 = arith.cmpi ne, %convert_element_type3A_199, %cond3A_200 : i32
    scf.if %cond3A_201 {
      %dma_wait3A = arith.constant 18 : i32
      %dma_wait3A_267 = arith.constant 0 : i32
      %dma_wait3A_268 = tpu.memref_slice %arg8[%dma_wait3A, %dma_wait3A_267] : memref<33x16xi32, #tpu.memory_space<vmem>> -> memref<1x16xi32, #tpu.memory_space<vmem>>
      %dma_wait3A_269 = tpu.memref_squeeze %dma_wait3A_268 : memref<1x16xi32, #tpu.memory_space<vmem>> -> memref<16xi32, #tpu.memory_space<vmem>>
      %dma_wait3A_270 = arith.constant 0 : i32
      %dma_wait3A_271 = arith.constant 0 : i32
      %dma_wait3A_272 = tpu.memref_slice %arg5[%dma_wait3A_270, %dma_wait3A_271] : memref<16384x1024xf32, #tpu.memory_space<hbm>> -> memref<16384x1024xf32, #tpu.memory_space<hbm>>
      tpu.wait_indirect_dma semaphore(%arg19 : memref<!tpu.dma_semaphore, #tpu.memory_space<semaphore_mem>>) src(%arg10 : memref<16x1024xf32, #tpu.memory_space<vmem>>) dst(%dma_wait3A_272 : memref<16384x1024xf32, #tpu.memory_space<hbm>>)
    } else {
    }
    %gt3A_202 = arith.constant 19 : i32
    %gt3A_203 = arith.cmpi sgt, %select_n3A_75, %gt3A_202 : i32
    %convert_element_type3A_204 = arith.extui %gt3A_203 : i1 to i32
    %cond3A_205 = arith.constant 0 : i32
    %cond3A_206 = arith.cmpi ne, %convert_element_type3A_204, %cond3A_205 : i32
    scf.if %cond3A_206 {
      %dma_wait3A = arith.constant 19 : i32
      %dma_wait3A_267 = arith.constant 0 : i32
      %dma_wait3A_268 = tpu.memref_slice %arg8[%dma_wait3A, %dma_wait3A_267] : memref<33x16xi32, #tpu.memory_space<vmem>> -> memref<1x16xi32, #tpu.memory_space<vmem>>
      %dma_wait3A_269 = tpu.memref_squeeze %dma_wait3A_268 : memref<1x16xi32, #tpu.memory_space<vmem>> -> memref<16xi32, #tpu.memory_space<vmem>>
      %dma_wait3A_270 = arith.constant 0 : i32
      %dma_wait3A_271 = arith.constant 0 : i32
      %dma_wait3A_272 = tpu.memref_slice %arg5[%dma_wait3A_270, %dma_wait3A_271] : memref<16384x1024xf32, #tpu.memory_space<hbm>> -> memref<16384x1024xf32, #tpu.memory_space<hbm>>
      tpu.wait_indirect_dma semaphore(%arg19 : memref<!tpu.dma_semaphore, #tpu.memory_space<semaphore_mem>>) src(%arg10 : memref<16x1024xf32, #tpu.memory_space<vmem>>) dst(%dma_wait3A_272 : memref<16384x1024xf32, #tpu.memory_space<hbm>>)
    } else {
    }
    %gt3A_207 = arith.constant 20 : i32
    %gt3A_208 = arith.cmpi sgt, %select_n3A_75, %gt3A_207 : i32
    %convert_element_type3A_209 = arith.extui %gt3A_208 : i1 to i32
    %cond3A_210 = arith.constant 0 : i32
    %cond3A_211 = arith.cmpi ne, %convert_element_type3A_209, %cond3A_210 : i32
    scf.if %cond3A_211 {
      %dma_wait3A = arith.constant 20 : i32
      %dma_wait3A_267 = arith.constant 0 : i32
      %dma_wait3A_268 = tpu.memref_slice %arg8[%dma_wait3A, %dma_wait3A_267] : memref<33x16xi32, #tpu.memory_space<vmem>> -> memref<1x16xi32, #tpu.memory_space<vmem>>
      %dma_wait3A_269 = tpu.memref_squeeze %dma_wait3A_268 : memref<1x16xi32, #tpu.memory_space<vmem>> -> memref<16xi32, #tpu.memory_space<vmem>>
      %dma_wait3A_270 = arith.constant 0 : i32
      %dma_wait3A_271 = arith.constant 0 : i32
      %dma_wait3A_272 = tpu.memref_slice %arg5[%dma_wait3A_270, %dma_wait3A_271] : memref<16384x1024xf32, #tpu.memory_space<hbm>> -> memref<16384x1024xf32, #tpu.memory_space<hbm>>
      tpu.wait_indirect_dma semaphore(%arg19 : memref<!tpu.dma_semaphore, #tpu.memory_space<semaphore_mem>>) src(%arg10 : memref<16x1024xf32, #tpu.memory_space<vmem>>) dst(%dma_wait3A_272 : memref<16384x1024xf32, #tpu.memory_space<hbm>>)
    } else {
    }
    %gt3A_212 = arith.constant 21 : i32
    %gt3A_213 = arith.cmpi sgt, %select_n3A_75, %gt3A_212 : i32
    %convert_element_type3A_214 = arith.extui %gt3A_213 : i1 to i32
    %cond3A_215 = arith.constant 0 : i32
    %cond3A_216 = arith.cmpi ne, %convert_element_type3A_214, %cond3A_215 : i32
    scf.if %cond3A_216 {
      %dma_wait3A = arith.constant 21 : i32
      %dma_wait3A_267 = arith.constant 0 : i32
      %dma_wait3A_268 = tpu.memref_slice %arg8[%dma_wait3A, %dma_wait3A_267] : memref<33x16xi32, #tpu.memory_space<vmem>> -> memref<1x16xi32, #tpu.memory_space<vmem>>
      %dma_wait3A_269 = tpu.memref_squeeze %dma_wait3A_268 : memref<1x16xi32, #tpu.memory_space<vmem>> -> memref<16xi32, #tpu.memory_space<vmem>>
      %dma_wait3A_270 = arith.constant 0 : i32
      %dma_wait3A_271 = arith.constant 0 : i32
      %dma_wait3A_272 = tpu.memref_slice %arg5[%dma_wait3A_270, %dma_wait3A_271] : memref<16384x1024xf32, #tpu.memory_space<hbm>> -> memref<16384x1024xf32, #tpu.memory_space<hbm>>
      tpu.wait_indirect_dma semaphore(%arg19 : memref<!tpu.dma_semaphore, #tpu.memory_space<semaphore_mem>>) src(%arg10 : memref<16x1024xf32, #tpu.memory_space<vmem>>) dst(%dma_wait3A_272 : memref<16384x1024xf32, #tpu.memory_space<hbm>>)
    } else {
    }
    %gt3A_217 = arith.constant 22 : i32
    %gt3A_218 = arith.cmpi sgt, %select_n3A_75, %gt3A_217 : i32
    %convert_element_type3A_219 = arith.extui %gt3A_218 : i1 to i32
    %cond3A_220 = arith.constant 0 : i32
    %cond3A_221 = arith.cmpi ne, %convert_element_type3A_219, %cond3A_220 : i32
    scf.if %cond3A_221 {
      %dma_wait3A = arith.constant 22 : i32
      %dma_wait3A_267 = arith.constant 0 : i32
      %dma_wait3A_268 = tpu.memref_slice %arg8[%dma_wait3A, %dma_wait3A_267] : memref<33x16xi32, #tpu.memory_space<vmem>> -> memref<1x16xi32, #tpu.memory_space<vmem>>
      %dma_wait3A_269 = tpu.memref_squeeze %dma_wait3A_268 : memref<1x16xi32, #tpu.memory_space<vmem>> -> memref<16xi32, #tpu.memory_space<vmem>>
      %dma_wait3A_270 = arith.constant 0 : i32
      %dma_wait3A_271 = arith.constant 0 : i32
      %dma_wait3A_272 = tpu.memref_slice %arg5[%dma_wait3A_270, %dma_wait3A_271] : memref<16384x1024xf32, #tpu.memory_space<hbm>> -> memref<16384x1024xf32, #tpu.memory_space<hbm>>
      tpu.wait_indirect_dma semaphore(%arg19 : memref<!tpu.dma_semaphore, #tpu.memory_space<semaphore_mem>>) src(%arg10 : memref<16x1024xf32, #tpu.memory_space<vmem>>) dst(%dma_wait3A_272 : memref<16384x1024xf32, #tpu.memory_space<hbm>>)
    } else {
    }
    %gt3A_222 = arith.constant 23 : i32
    %gt3A_223 = arith.cmpi sgt, %select_n3A_75, %gt3A_222 : i32
    %convert_element_type3A_224 = arith.extui %gt3A_223 : i1 to i32
    %cond3A_225 = arith.constant 0 : i32
    %cond3A_226 = arith.cmpi ne, %convert_element_type3A_224, %cond3A_225 : i32
    scf.if %cond3A_226 {
      %dma_wait3A = arith.constant 23 : i32
      %dma_wait3A_267 = arith.constant 0 : i32
      %dma_wait3A_268 = tpu.memref_slice %arg8[%dma_wait3A, %dma_wait3A_267] : memref<33x16xi32, #tpu.memory_space<vmem>> -> memref<1x16xi32, #tpu.memory_space<vmem>>
      %dma_wait3A_269 = tpu.memref_squeeze %dma_wait3A_268 : memref<1x16xi32, #tpu.memory_space<vmem>> -> memref<16xi32, #tpu.memory_space<vmem>>
      %dma_wait3A_270 = arith.constant 0 : i32
      %dma_wait3A_271 = arith.constant 0 : i32
      %dma_wait3A_272 = tpu.memref_slice %arg5[%dma_wait3A_270, %dma_wait3A_271] : memref<16384x1024xf32, #tpu.memory_space<hbm>> -> memref<16384x1024xf32, #tpu.memory_space<hbm>>
      tpu.wait_indirect_dma semaphore(%arg19 : memref<!tpu.dma_semaphore, #tpu.memory_space<semaphore_mem>>) src(%arg10 : memref<16x1024xf32, #tpu.memory_space<vmem>>) dst(%dma_wait3A_272 : memref<16384x1024xf32, #tpu.memory_space<hbm>>)
    } else {
    }
    %gt3A_227 = arith.constant 24 : i32
    %gt3A_228 = arith.cmpi sgt, %select_n3A_75, %gt3A_227 : i32
    %convert_element_type3A_229 = arith.extui %gt3A_228 : i1 to i32
    %cond3A_230 = arith.constant 0 : i32
    %cond3A_231 = arith.cmpi ne, %convert_element_type3A_229, %cond3A_230 : i32
    scf.if %cond3A_231 {
      %dma_wait3A = arith.constant 24 : i32
      %dma_wait3A_267 = arith.constant 0 : i32
      %dma_wait3A_268 = tpu.memref_slice %arg8[%dma_wait3A, %dma_wait3A_267] : memref<33x16xi32, #tpu.memory_space<vmem>> -> memref<1x16xi32, #tpu.memory_space<vmem>>
      %dma_wait3A_269 = tpu.memref_squeeze %dma_wait3A_268 : memref<1x16xi32, #tpu.memory_space<vmem>> -> memref<16xi32, #tpu.memory_space<vmem>>
      %dma_wait3A_270 = arith.constant 0 : i32
      %dma_wait3A_271 = arith.constant 0 : i32
      %dma_wait3A_272 = tpu.memref_slice %arg5[%dma_wait3A_270, %dma_wait3A_271] : memref<16384x1024xf32, #tpu.memory_space<hbm>> -> memref<16384x1024xf32, #tpu.memory_space<hbm>>
      tpu.wait_indirect_dma semaphore(%arg19 : memref<!tpu.dma_semaphore, #tpu.memory_space<semaphore_mem>>) src(%arg10 : memref<16x1024xf32, #tpu.memory_space<vmem>>) dst(%dma_wait3A_272 : memref<16384x1024xf32, #tpu.memory_space<hbm>>)
    } else {
    }
    %gt3A_232 = arith.constant 25 : i32
    %gt3A_233 = arith.cmpi sgt, %select_n3A_75, %gt3A_232 : i32
    %convert_element_type3A_234 = arith.extui %gt3A_233 : i1 to i32
    %cond3A_235 = arith.constant 0 : i32
    %cond3A_236 = arith.cmpi ne, %convert_element_type3A_234, %cond3A_235 : i32
    scf.if %cond3A_236 {
      %dma_wait3A = arith.constant 25 : i32
      %dma_wait3A_267 = arith.constant 0 : i32
      %dma_wait3A_268 = tpu.memref_slice %arg8[%dma_wait3A, %dma_wait3A_267] : memref<33x16xi32, #tpu.memory_space<vmem>> -> memref<1x16xi32, #tpu.memory_space<vmem>>
      %dma_wait3A_269 = tpu.memref_squeeze %dma_wait3A_268 : memref<1x16xi32, #tpu.memory_space<vmem>> -> memref<16xi32, #tpu.memory_space<vmem>>
      %dma_wait3A_270 = arith.constant 0 : i32
      %dma_wait3A_271 = arith.constant 0 : i32
      %dma_wait3A_272 = tpu.memref_slice %arg5[%dma_wait3A_270, %dma_wait3A_271] : memref<16384x1024xf32, #tpu.memory_space<hbm>> -> memref<16384x1024xf32, #tpu.memory_space<hbm>>
      tpu.wait_indirect_dma semaphore(%arg19 : memref<!tpu.dma_semaphore, #tpu.memory_space<semaphore_mem>>) src(%arg10 : memref<16x1024xf32, #tpu.memory_space<vmem>>) dst(%dma_wait3A_272 : memref<16384x1024xf32, #tpu.memory_space<hbm>>)
    } else {
    }
    %gt3A_237 = arith.constant 26 : i32
    %gt3A_238 = arith.cmpi sgt, %select_n3A_75, %gt3A_237 : i32
    %convert_element_type3A_239 = arith.extui %gt3A_238 : i1 to i32
    %cond3A_240 = arith.constant 0 : i32
    %cond3A_241 = arith.cmpi ne, %convert_element_type3A_239, %cond3A_240 : i32
    scf.if %cond3A_241 {
      %dma_wait3A = arith.constant 26 : i32
      %dma_wait3A_267 = arith.constant 0 : i32
      %dma_wait3A_268 = tpu.memref_slice %arg8[%dma_wait3A, %dma_wait3A_267] : memref<33x16xi32, #tpu.memory_space<vmem>> -> memref<1x16xi32, #tpu.memory_space<vmem>>
      %dma_wait3A_269 = tpu.memref_squeeze %dma_wait3A_268 : memref<1x16xi32, #tpu.memory_space<vmem>> -> memref<16xi32, #tpu.memory_space<vmem>>
      %dma_wait3A_270 = arith.constant 0 : i32
      %dma_wait3A_271 = arith.constant 0 : i32
      %dma_wait3A_272 = tpu.memref_slice %arg5[%dma_wait3A_270, %dma_wait3A_271] : memref<16384x1024xf32, #tpu.memory_space<hbm>> -> memref<16384x1024xf32, #tpu.memory_space<hbm>>
      tpu.wait_indirect_dma semaphore(%arg19 : memref<!tpu.dma_semaphore, #tpu.memory_space<semaphore_mem>>) src(%arg10 : memref<16x1024xf32, #tpu.memory_space<vmem>>) dst(%dma_wait3A_272 : memref<16384x1024xf32, #tpu.memory_space<hbm>>)
    } else {
    }
    %gt3A_242 = arith.constant 27 : i32
    %gt3A_243 = arith.cmpi sgt, %select_n3A_75, %gt3A_242 : i32
    %convert_element_type3A_244 = arith.extui %gt3A_243 : i1 to i32
    %cond3A_245 = arith.constant 0 : i32
    %cond3A_246 = arith.cmpi ne, %convert_element_type3A_244, %cond3A_245 : i32
    scf.if %cond3A_246 {
      %dma_wait3A = arith.constant 27 : i32
      %dma_wait3A_267 = arith.constant 0 : i32
      %dma_wait3A_268 = tpu.memref_slice %arg8[%dma_wait3A, %dma_wait3A_267] : memref<33x16xi32, #tpu.memory_space<vmem>> -> memref<1x16xi32, #tpu.memory_space<vmem>>
      %dma_wait3A_269 = tpu.memref_squeeze %dma_wait3A_268 : memref<1x16xi32, #tpu.memory_space<vmem>> -> memref<16xi32, #tpu.memory_space<vmem>>
      %dma_wait3A_270 = arith.constant 0 : i32
      %dma_wait3A_271 = arith.constant 0 : i32
      %dma_wait3A_272 = tpu.memref_slice %arg5[%dma_wait3A_270, %dma_wait3A_271] : memref<16384x1024xf32, #tpu.memory_space<hbm>> -> memref<16384x1024xf32, #tpu.memory_space<hbm>>
      tpu.wait_indirect_dma semaphore(%arg19 : memref<!tpu.dma_semaphore, #tpu.memory_space<semaphore_mem>>) src(%arg10 : memref<16x1024xf32, #tpu.memory_space<vmem>>) dst(%dma_wait3A_272 : memref<16384x1024xf32, #tpu.memory_space<hbm>>)
    } else {
    }
    %gt3A_247 = arith.constant 28 : i32
    %gt3A_248 = arith.cmpi sgt, %select_n3A_75, %gt3A_247 : i32
    %convert_element_type3A_249 = arith.extui %gt3A_248 : i1 to i32
    %cond3A_250 = arith.constant 0 : i32
    %cond3A_251 = arith.cmpi ne, %convert_element_type3A_249, %cond3A_250 : i32
    scf.if %cond3A_251 {
      %dma_wait3A = arith.constant 28 : i32
      %dma_wait3A_267 = arith.constant 0 : i32
      %dma_wait3A_268 = tpu.memref_slice %arg8[%dma_wait3A, %dma_wait3A_267] : memref<33x16xi32, #tpu.memory_space<vmem>> -> memref<1x16xi32, #tpu.memory_space<vmem>>
      %dma_wait3A_269 = tpu.memref_squeeze %dma_wait3A_268 : memref<1x16xi32, #tpu.memory_space<vmem>> -> memref<16xi32, #tpu.memory_space<vmem>>
      %dma_wait3A_270 = arith.constant 0 : i32
      %dma_wait3A_271 = arith.constant 0 : i32
      %dma_wait3A_272 = tpu.memref_slice %arg5[%dma_wait3A_270, %dma_wait3A_271] : memref<16384x1024xf32, #tpu.memory_space<hbm>> -> memref<16384x1024xf32, #tpu.memory_space<hbm>>
      tpu.wait_indirect_dma semaphore(%arg19 : memref<!tpu.dma_semaphore, #tpu.memory_space<semaphore_mem>>) src(%arg10 : memref<16x1024xf32, #tpu.memory_space<vmem>>) dst(%dma_wait3A_272 : memref<16384x1024xf32, #tpu.memory_space<hbm>>)
    } else {
    }
    %gt3A_252 = arith.constant 29 : i32
    %gt3A_253 = arith.cmpi sgt, %select_n3A_75, %gt3A_252 : i32
    %convert_element_type3A_254 = arith.extui %gt3A_253 : i1 to i32
    %cond3A_255 = arith.constant 0 : i32
    %cond3A_256 = arith.cmpi ne, %convert_element_type3A_254, %cond3A_255 : i32
    scf.if %cond3A_256 {
      %dma_wait3A = arith.constant 29 : i32
      %dma_wait3A_267 = arith.constant 0 : i32
      %dma_wait3A_268 = tpu.memref_slice %arg8[%dma_wait3A, %dma_wait3A_267] : memref<33x16xi32, #tpu.memory_space<vmem>> -> memref<1x16xi32, #tpu.memory_space<vmem>>
      %dma_wait3A_269 = tpu.memref_squeeze %dma_wait3A_268 : memref<1x16xi32, #tpu.memory_space<vmem>> -> memref<16xi32, #tpu.memory_space<vmem>>
      %dma_wait3A_270 = arith.constant 0 : i32
      %dma_wait3A_271 = arith.constant 0 : i32
      %dma_wait3A_272 = tpu.memref_slice %arg5[%dma_wait3A_270, %dma_wait3A_271] : memref<16384x1024xf32, #tpu.memory_space<hbm>> -> memref<16384x1024xf32, #tpu.memory_space<hbm>>
      tpu.wait_indirect_dma semaphore(%arg19 : memref<!tpu.dma_semaphore, #tpu.memory_space<semaphore_mem>>) src(%arg10 : memref<16x1024xf32, #tpu.memory_space<vmem>>) dst(%dma_wait3A_272 : memref<16384x1024xf32, #tpu.memory_space<hbm>>)
    } else {
    }
    %gt3A_257 = arith.constant 30 : i32
    %gt3A_258 = arith.cmpi sgt, %select_n3A_75, %gt3A_257 : i32
    %convert_element_type3A_259 = arith.extui %gt3A_258 : i1 to i32
    %cond3A_260 = arith.constant 0 : i32
    %cond3A_261 = arith.cmpi ne, %convert_element_type3A_259, %cond3A_260 : i32
    scf.if %cond3A_261 {
      %dma_wait3A = arith.constant 30 : i32
      %dma_wait3A_267 = arith.constant 0 : i32
      %dma_wait3A_268 = tpu.memref_slice %arg8[%dma_wait3A, %dma_wait3A_267] : memref<33x16xi32, #tpu.memory_space<vmem>> -> memref<1x16xi32, #tpu.memory_space<vmem>>
      %dma_wait3A_269 = tpu.memref_squeeze %dma_wait3A_268 : memref<1x16xi32, #tpu.memory_space<vmem>> -> memref<16xi32, #tpu.memory_space<vmem>>
      %dma_wait3A_270 = arith.constant 0 : i32
      %dma_wait3A_271 = arith.constant 0 : i32
      %dma_wait3A_272 = tpu.memref_slice %arg5[%dma_wait3A_270, %dma_wait3A_271] : memref<16384x1024xf32, #tpu.memory_space<hbm>> -> memref<16384x1024xf32, #tpu.memory_space<hbm>>
      tpu.wait_indirect_dma semaphore(%arg19 : memref<!tpu.dma_semaphore, #tpu.memory_space<semaphore_mem>>) src(%arg10 : memref<16x1024xf32, #tpu.memory_space<vmem>>) dst(%dma_wait3A_272 : memref<16384x1024xf32, #tpu.memory_space<hbm>>)
    } else {
    }
    %gt3A_262 = arith.constant 31 : i32
    %gt3A_263 = arith.cmpi sgt, %select_n3A_75, %gt3A_262 : i32
    %convert_element_type3A_264 = arith.extui %gt3A_263 : i1 to i32
    %cond3A_265 = arith.constant 0 : i32
    %cond3A_266 = arith.cmpi ne, %convert_element_type3A_264, %cond3A_265 : i32
    scf.if %cond3A_266 {
      %dma_wait3A = arith.constant 31 : i32
      %dma_wait3A_267 = arith.constant 0 : i32
      %dma_wait3A_268 = tpu.memref_slice %arg8[%dma_wait3A, %dma_wait3A_267] : memref<33x16xi32, #tpu.memory_space<vmem>> -> memref<1x16xi32, #tpu.memory_space<vmem>>
      %dma_wait3A_269 = tpu.memref_squeeze %dma_wait3A_268 : memref<1x16xi32, #tpu.memory_space<vmem>> -> memref<16xi32, #tpu.memory_space<vmem>>
      %dma_wait3A_270 = arith.constant 0 : i32
      %dma_wait3A_271 = arith.constant 0 : i32
      %dma_wait3A_272 = tpu.memref_slice %arg5[%dma_wait3A_270, %dma_wait3A_271] : memref<16384x1024xf32, #tpu.memory_space<hbm>> -> memref<16384x1024xf32, #tpu.memory_space<hbm>>
      tpu.wait_indirect_dma semaphore(%arg19 : memref<!tpu.dma_semaphore, #tpu.memory_space<semaphore_mem>>) src(%arg10 : memref<16x1024xf32, #tpu.memory_space<vmem>>) dst(%dma_wait3A_272 : memref<16384x1024xf32, #tpu.memory_space<hbm>>)
    } else {
    }
    return
  }
}

</mosaic_0001>

<sc_bundles>
// kernel: kernel.3.cloned.1.call-start
scs
__scs_entry_jumppad:
0x0: {  	(pc) =	sbr.rel $0x88, $3  }
0x1: {  	(tag) =	ssettag $0x0;
	lr =	simm.s32 $0x1  }
0x2: {  	[smem:$0x3F9F] =	sst lr;
	_ =	strace $0xD0000000  }
0x3: {  	_ = 	snop  }
0x4: {  	_ = 	snop  }
0x5: {  	_ = 	snop  }
0x6: {  	_ = 	snop  }
0x7: {  	_ = 	snop  }
__scs_overlays_trampoline_lowered:
0x8: {  	[smem:$0x3FAE] =	sst s0  }
0x9: {  	[smem:$0x3FAF] =	sst s1  }
0xa: {  	[smem:$0x3FB0] =	sst s2  }
0xb: {  	[smem:$0x3FB1] =	sst s3  }
0xc: {  	[smem:$0x3FB2] =	sst s4  }
0xd: {  	[smem:$0x3FB3] =	sst s5  }
0xe: {  	[smem:$0x3FB4] =	sst s6  }
0xf: {  	[smem:$0x3FB5] =	sst s7  }
0x10: {  	[smem:$0x3FB6] =	sst s8  }
0x11: {  	[smem:$0x3FB7] =	sst s9;
	s0 =	simm.s32 @!p0 $0x0  }
0x12: {  	s1 =	sld [smem:$0x3F9D];
	s0 =	simm.s32 @p0 $0x1  }
0x13: {  	[smem:$0x3FB8] =	sst s0;
	s0 =	simm.s32 @!p1 $0x0  }
0x14: {  	s2 =	sld [smem:$0x3F9C];
	s0 =	simm.s32 @p1 $0x1  }
0x15: {  	[smem:$0x3FB9] =	sst s0;
	s0 =	simm.s32 @!p2 $0x0  }
0x16: {  	s3 =	sld [smem:$0x3FDB];
	s0 =	simm.s32 @p2 $0x1  }
0x17: {  	s4 =	simm.s32 $0x1BF5;
	[smem:$0x3FBB] =	sst s0  }
0x18: {  	s0 =	sld [smem:$0x3F9E];
	_ =	swait.ge [sflag:s4], $0x0  }
0x19: {  	s7 =	sld [smem:$0x3F9F]  }
0x1a: {  	s8 =	sadd.s32 $0xFFFFE003, lr  }
0x1b: {  	s9 =	sadd.s32 $0xFFFFFEF7, lr;
	s5 =	simm.s32 $0xFFFFFFFF;
	p2 =	slt.u32 s8, $0xFFFFF086  }
0x1c: {  	p1 =	slt.u32 s9, $0xF7A;
	s5 =	simm.s32 @!p2 $0x0  }
0x1d: {  	s5 =	simm.s32 @p1 $0x1;
	p0 =	seq.s32 s7, s2  }
0x1e: {  	s7 =	smul.u32 @!p0 $0xF7A, s2;
	p2 =	seq.s32 @!p0 s5, $0x0  }
0x1f: {  	s9 =	smul.u32 $0xF7A, s1;
	s8 =	simm.s32 @!p0 $0x1BF5;
	p2 =	por !p2, p0  }
0x20: {  	[sflag:s8] =	ssyncset.s32 @!p0 $0xFFFFF086;
	s6 =	sadd.s32 @!p0 s3, s7;
	s7 =	simm.s32 @!p0 $0x108  }
0x21: {  	s3 =	sadd.s32 s3, s9;
	s6 =	sadd.s32 @!p0 $0x88, s6;
	s7 =	simm.s32 @p2 $0x1082  }
0x22: {  	[simem:s7], [sflag:s8] =	dma.local @!p0 [hbm:s6], $0xF7A  }
0x23: {  	s9 =	sor.u32 $0xD0000000, s2;
	s6 =	simm.s32 $0x108;
	_ =	swait.ge @!p0 [sflag:s8], $0x0  }
0x24: {  	s3 =	sadd.s32 $0x88, s3;
	s6 =	simm.s32 @!p1 $0x1082;
	[sflag:s4] =	ssyncset.s32 $0xFFFFF086  }
0x25: {  	[simem:s6], [sflag:s4] =	dma.local [hbm:s3], $0xF7A  }
0x26: {  	[smem:$0x3F9F] =	sst s1;
	(tag) =	ssettag s2;
	_ =	strace s9  }
0x27: {  	s1 =	sld [smem:$0x3FAF]  }
0x28: {  	s2 =	sld [smem:$0x3FB0]  }
0x29: {  	s4 =	sld [smem:$0x3FB2]  }
0x2a: {  	p0 =	seq.s32 s5, $0x0;
	s5 =	sld [smem:$0x3FB3]  }
0x2b: {  	s6 =	sld [smem:$0x3FB4]  }
0x2c: {  	s7 =	sld [smem:$0x3FB5]  }
0x2d: {  	s3 =	simm.s32 $0x108;
	s8 =	sld [smem:$0x3FB6]  }
0x2e: {  	s3 =	simm.s32 @!p0 $0x1082;
	s9 =	sld [smem:$0x3FB7]  }
0x2f: {  	lr =	sadd.s32 s0, s3;
	s0 =	sld [smem:$0x3FAE]  }
0x30: {  	s3 =	sld [smem:$0x3FB1]  }
0x31: {  	[smem:$0x3FBA] =	sst s10  }
0x32: {  	s10 =	sld [smem:$0x3FB8];
	_ =	sdelay $0x3  }
0x33: {  	p0 =	seq.s32 s10, $0x1;
	s10 =	sld [smem:$0x3FBA];
	_ =	sdelay $0x3  }
0x34: {  	[smem:$0x3FBA] =	sst s10  }
0x35: {  	s10 =	sld [smem:$0x3FB9];
	_ =	sdelay $0x3  }
0x36: {  	p1 =	seq.s32 s10, $0x1;
	s10 =	sld [smem:$0x3FBA];
	_ =	sdelay $0x3  }
0x37: {  	[smem:$0x3FBA] =	sst s10  }
0x38: {  	s10 =	sld [smem:$0x3FBB]  }
0x39: {  	_ = 	snop;
	(pc) =	sbr.ind lr, $3  }
0x3a: {  	_ = 	snop  }
0x3b: {  	_ = 	snop  }
0x3c: {  	p2 =	seq.s32 s10, $0x1;
	s10 =	sld [smem:$0x3FBA]  }
0x3d: {  	_ =	shalt  }
0x3e: {  	_ =	shalt  }
0x3f: {  	_ =	shalt  }
0x40: {  	_ =	shalt  }
0x41: {  	_ =	shalt  }
0x42: {  	_ =	shalt  }
0x43: {  	_ =	shalt  }
0x44: {  	_ =	shalt  }
0x45: {  	_ =	shalt  }
0x46: {  	_ =	shalt  }
0x47: {  	_ =	shalt  }
0x48: {  	_ =	shalt  }
0x49: {  	_ =	shalt  }
0x4a: {  	_ =	shalt  }
0x4b: {  	_ =	shalt  }
0x4c: {  	_ =	shalt  }
0x4d: {  	_ =	shalt  }
0x4e: {  	_ =	shalt  }
0x4f: {  	_ =	shalt  }
0x50: {  	_ =	shalt  }
0x51: {  	_ =	shalt  }
0x52: {  	_ =	shalt  }
0x53: {  	_ =	shalt  }
0x54: {  	_ =	shalt  }
0x55: {  	_ =	shalt  }
0x56: {  	_ =	shalt  }
0x57: {  	_ =	shalt  }
0x58: {  	_ =	shalt  }
0x59: {  	_ =	shalt  }
0x5a: {  	_ =	shalt  }
0x5b: {  	_ =	shalt  }
0x5c: {  	_ =	shalt  }
0x5d: {  	_ =	shalt  }
0x5e: {  	_ =	shalt  }
0x5f: {  	_ =	shalt  }
0x60: {  	_ =	shalt  }
0x61: {  	_ =	shalt  }
0x62: {  	_ =	shalt  }
0x63: {  	_ =	shalt  }
0x64: {  	_ =	shalt  }
0x65: {  	_ =	shalt  }
0x66: {  	_ =	shalt  }
0x67: {  	_ =	shalt  }
0x68: {  	_ =	shalt  }
0x69: {  	_ =	shalt  }
0x6a: {  	_ =	shalt  }
0x6b: {  	_ =	shalt  }
0x6c: {  	_ =	shalt  }
0x6d: {  	_ =	shalt  }
0x6e: {  	_ =	shalt  }
0x6f: {  	_ =	shalt  }
0x70: {  	_ =	shalt  }
0x71: {  	_ =	shalt  }
0x72: {  	_ =	shalt  }
0x73: {  	_ =	shalt  }
0x74: {  	_ =	shalt  }
0x75: {  	_ =	shalt  }
0x76: {  	_ =	shalt  }
0x77: {  	_ =	shalt  }
0x78: {  	_ =	shalt  }
0x79: {  	_ =	shalt  }
0x7a: {  	_ =	shalt  }
0x7b: {  	_ =	shalt  }
0x7c: {  	_ =	shalt  }
0x7d: {  	_ =	shalt  }
0x7e: {  	_ =	shalt  }
0x7f: {  	_ =	shalt  }
0x80: {  	_ =	shalt  }
0x81: {  	_ =	shalt  }
0x82: {  	_ =	shalt  }
0x83: {  	_ =	shalt  }
0x84: {  	_ =	shalt  }
0x85: {  	_ =	shalt  }
0x86: {  	_ =	shalt  }
0x87: {  	_ =	shalt  }
.Lfunc_end0:
.L_simem_size_0:
called_computation_lowered:
.L_overlay_start_0:
0x88: {  	s2 =	sld [smem:$0x3FD9]  }
0x89: {  	s3 =	sld [smem:$0x3FFE];
	_ =	sdelay $0x1  }
0x8a: {  	s1 =	srdreg.scid  }
0x8b: {  	s0 =	sand.u32 $0x1, s1  }
0x8c: {  	s17 =	sshll.u32 s0, $0xA;
	s2 =	sadd.s32 s3, s2  }
0x8d: {  	s2 =	sadd.s32 s2, s17  }
0x8e: {  	[smem:$0x3FC6] =	sst s2  }
0x8f: {  	_ = 	snop  }
0x90: {  	s2 =	sld [smem:$0x3FC8]  }
0x91: {  	s18 =	sld [smem:$0x3FD0];
	(tm) =	ssettm $0x1  }
0x92: {  	s4 =	sld [smem:$0x3FFB];
	_ =	sdelay $0x3  }
0x93: {  	_ =	strace s4  }
0x94: {  	s4 =	sld [smem:$0x3FFC];
	_ =	sdelay $0x3  }
0x95: {  	_ =	strace s4  }
0x96: {  	s4 =	sld [smem:$0x3FFD];
	_ =	sdelay $0x3  }
0x97: {  	_ =	strace s4  }
0x98: {  	_ =	strace $0x8FFFFFFF  }
0x99: {  	s19 =	sld [smem:$0x3FDB];
	_ =	sdelay $0x1  }
0x9a: {  	s5 =	simm.s32 $_scs_section_size  }
0x9b: {  	s6 =	simm.s32 $_size__tile_overlayer_lowered;
	s7 =	simm.s32 $_tile_overlayer_lowered  }
0x9c: {  	s22 =	simm.s32 $0x1BFF;
	s21 =	sshll.u32 s7, $0x1;
	s4 =	sadd.s32 s5, s19  }
0x9d: {  	s8 =	simm.s32 $0x0;
	s20 =	sshll.u32 s6, $0x1;
	s6 =	sadd.s32 s21, s4  }
0x9e: {  	[timem:s8], [sflag:s22] =	dma.local [hbm:s6], s20  }
0x9f: {  	_ =	swait.ge [sflag:s22], s20  }
0xa0: {  	s5 =	ssub.s32 $0x0, s20;
	[sflag:s22] =	ssyncset.done $0x0  }
0xa1: {  	[sflag:s22] =	ssyncadd.s32 s5;
	_ =	sdelay $0x1  }
0xa2: {  	s23 =	simm.s32 $0x1B8B  }
0xa3: {  	_ =	swait.ge [sflag:s23], $0x1  }
0xa4: {  	[sflag:s23] =	ssyncset.done $0x0  }
0xa5: {  	s25 =	simm.s32 $0x1B8E;
	s24 =	sld [smem:$0x3FFE];
	[sflag:s23] =	ssyncadd.s32 $0xFFFFFFFF  }
0xa6: {  	s26 =	simm.s32 $execute0_lowered;
	[smem:$0x3FD2] =	sst s25  }
0xa7: {  	s6 =	sshll.u32 s26, $0x1;
	_ =	strace $0x80000046;
	[dreg:$0x1] =	wrdreg $0xFFFFFFFF  }
0xa8: {  	s28 =	simm.s32 $_size_execute0_lowered;
	s4 =	sadd.s32 s4, s6;
	[dreg:$0x0] =	wrdreg $0x0  }
0xa9: {  	s6 =	sshll.u32 s28, $0x1;
	[dreg:$0x2] =	wrdreg s4  }
0xaa: {  	[dreg:$0x3] =	wrdreg s6  }
0xab: {  	[dreg:$0x4] =	wrdreg $0xC0  }
0xac: {  	_ =	task [dreg:s8], $0x5FFFF  }
0xad: {  	[dreg:$0x1] =	wrdreg $0xFFFFFFFF  }
0xae: {  	[dreg:$0x0] =	wrdreg $0x60  }
0xaf: {  	[dreg:$0x2] =	wrdreg s24  }
0xb0: {  	[dreg:$0x3] =	wrdreg s2  }
0xb1: {  	[dreg:$0x4] =	wrdreg s18  }
0xb2: {  	[dreg:$0x5] =	wrdreg $0x9  }
0xb3: {  	_ =	task.clear_ibuf [dreg:s8], $0x6FFFF;
	_ =	strace $0x90000046  }
0xb4: {  	s29 =	simm.s32 $0x9;
	_ =	strace $0x80000048  }
0xb5: {  	_ =	swait.ge [sflag:s29], $0x1  }
0xb6: {  	[sflag:s29] =	ssyncadd.s32 $0xFFFFFFFF  }
0xb7: {  	_ =	strace $0x90000048  }
0xb8: {  	_ =	sfence  }
0xb9: {  	s30 =	sld [smem:$0x0];
	_ =	sdelay $0x2  }
0xba: {  	s31 =	sshll.u32 s1, $0xD;
	s1 =	sshrl.u32 s1, $0x2  }
0xbb: {  	s3 =	sand.u32 $0x4000, s31;
	s1 =	sadd.s32 s1, s30  }
0xbc: {  	s0 =	sor.u32 s3, s0;
	s1 =	sshll.u32 s1, $0x11  }
0xbd: {  	s0 =	sor.u32 s1, s0  }
0xbe: {  	s0 =	sadd.s32 $0x8F2B, s0  }
0xbf: {  	[sflag:s0] =	ssyncadd.remote.s32 $0x1  }
0xc0: {  	_ =	sfence.sel $0xFFFF  }
0xc1: {  	[dreg:$0x0] =	wrdreg $0xFFFFFFFF;
	(pc) =	sbr.abs _section_cstart, $3  }
0xc2: {  	[dreg:$0x1] =	wrdreg $0xFFFFFFFF  }
0xc3: {  	_ =	task.clear_ibuf [dreg:s8], $0x2FFFF;
	_ =	strace $0x9FFFFFFF  }
0xc4: {  	(tm) =	ssettm $0x7FFFFFFF  }
0xc5: {  	_ =	shalt  }
tec
execute0_lowered:
.L_overlay_start_1:
0x0: {  	(tag) =	ssettag $0x1  }
0x1: {  	s0 =	rddreg [dreg:$0x0]  }
0x2: {  	s9 =	rddreg [dreg:$0x1]  }
0x3: {  	s10 =	rddreg [dreg:$0x2];
	s1 =	srdreg.scid  }
0x4: {  	s2 =	stileid.u32;
	s4 =	simm.s32 $0x0;
	s20 =	simm.s32 $0x200  }
0x5: {  	s18 =	simm.s32 $0x1600;
	s1 =	sand.u32 $0x1, s1;
	s2 =	sshll.u32 s2, $0xA  }
0x6: {  	[smem:$0x7FF] =	sst s4;
	s23 =	sadd.s32 $0x100, s9;
	s30 =	sadd.s32 $0x200, s9  }
0x7: {  	s31 =	sadd.s32 $0x300, s9;
	s11 =	sadd.s32 $0x100, s10;
	s3 =	sshll.u32 s1, $0x9  }
0x8: {  	s1 =	ssub.s32 $0x2, s1;
	_ =	strace $0x80000047;
	s2 =	sor.u32 s3, s2  }
.Ltmp0:
0x9: {  	[dreg:$0x7] =	wrdreg s2;
	s2 =	sshrl.u32 s2, $0x3;
	(pc) =	sbr.rel .LBB2_1-.Ltmp0, $4  }
0xa: {  	s26 =	sshrl.u32 s1, $0x1;
	s2 =	sadd.s32 s2, s0;
	s0 =	sadd.s32 $0xC00, s0  }
0xb: {  	s28 =	ssub.s32 s1, s26;
	[dreg:$0x8] =	wrdreg s0;
	s29 =	sadd.s32 $0x400, s2  }
0xc: {  	v0 =	vlaneseq.u32;
	s12 =	sadd.s32 $0x200, s10;
	s0 =	smax.u32 s28, $0x1;
	[dreg:$0x9] =	wrdreg s29  }
0xd: {  	s13 =	sadd.s32 $0x300, s10;
	v1 =	vor.u32 $0x80000000, v0;
	s1 =	simm.s32 $0x0;
	[dreg:$0xa] =	wrdreg s0  }
.LBB2_7:
0xe: {  	s1 =	sadd.s32 $0x1, s1;
	s0 =	rddreg [dreg:$0xa]  }
0xf: {  	p0 =	sne.s32 s1, s0  }
.Ltmp1:
0x10: {  	_ = 	snop;
	(pc) =	sbr.rel @!p0 .LBB2_8-.Ltmp1, $1  }
0x11: {  	_ =	sdelay $0x3  }
.LBB2_1:
0x12: {  	[dreg:$0xb] =	wrdreg s1  }
0x13: {  	s19 =	simm.s32 $0x0;
	s0 =	rddreg [dreg:$0x9];
	s21 =	simm.s32 $0xB  }
0x14: {  	[tilespmem:s19], [sflag:$0xB] =	stream.linear.gather [hbm4b:s0+s19], $0x200, $0x38;
	[tilespmem:$0x16A00] =	vst v63  }
0x15: {  	_ =	swait.ge [sflag:s21], $0x200  }
0x16: {  	s2 =	simm.s32 $0x12A00;
	[sflag:s21] =	ssyncset.done $0x0  }
0x17: {  	s24 =	simm.s32 $0x0;
	s22 =	rddreg [dreg:$0x8];
	[sflag:s21] =	ssyncadd.s32 $0xFFFFFE00  }
0x18: {  	[tilespmem:s2], [sflag:$0xA] =	stream.linear.gather [hbm4b:s22+s19], $0x4000, $0x38;
	[tilespmem:$0x16A00] =	vst v63  }
0x19: {  	v2 =	vld [tilespmem:s24+$0x0];
	_ =	sdelay $0x4  }
0x1a: {  	(xrf0) =	vadd.scan.msk.s32 $0xffff, v2;
	_ =	sdelay $0x5  }
0x1b: {  	v3, _, _ =	vpop (xrf0)  }
0x1c: {  	v6 =	vmov s19;
	s25 =	rddreg [dreg:$0x7];
	v4 =	vxor.u32 $0x80000000, v3  }
0x1d: {  	v5 =	vor.u32 s25, v1;
	vm0 =	vgt.s32 v2, $0x0;
	(xrf0) =	vmax.scan.msk.u32 $0xffff, v4;
	v4 =	vadd.s32 $0xFFFFFFFF, v6  }
0x1e: {  	v7 =	vsub.s32 s19, v3;
	v6 =	vsel vm0, $0x7FFFFFFF, v5;
	v4 =	vbroadcast v4, $0x0  }
0x1f: {  	v5 =	vnsel vm0, $0x7FFFFFFF, v5;
	(xrf0) =	vmax.scan.msk.u32 $0xffff, v6;
	v6 =	vadd.s32 v0, v7  }
0x20: {  	(xrf0) =	vmax.scan.msk.u32 $0xffff, v5;
	v5 =	vshll.u32 v6, $0x3;
	v3 =	vadd.s32 v3, v4  }
0x21: {  	v4 =	vand.u32 $0xFFFFFF80, v5;
	v5 =	vshll.u32 v3, $0x3  }
0x22: {  	v3 =	vand.u32 $0xF, v3;
	v5 =	vand.u32 $0xFFFFFF80, v5  }
0x23: {  	v3 =	vor.u32 v3, v5;
	v5 =	vand.u32 $0xF, v6  }
0x24: {  	vm1 =	vle.s32 v2, $0x0;
	v2, _, _ =	vpop (xrf0)  }
0x25: {  	(v2sf) =	vpush v2, $0xF;
	v2 =	vor.u32 v5, v4;
	v4, _, _ =	vpop (xrf0)  }
0x26: {  	(v2sf) =	vpush v4, $0xF;
	v5, _, _ =	vpop (xrf0)  }
0x27: {  	(v2sf) =	vpush v5, $0xF  }
0x28: {  	v4 =	vor.u32 s25, v0  }
0x29: {  	[tilespmem:v3+s20+$0x0] =	vst.idx.msk vm0, v4  }
0x2a: {  	s26 =	simm.s32 $0x10;
	[tilespmem:v2+s18+$0x0] =	vst.idx.msk vm1, v4  }
0x2b: {  	v2 =	vld [tilespmem:s26+$0x0];
	_ =	sdelay $0x4  }
0x2c: {  	(xrf0) =	vadd.scan.msk.s32 $0xffff, v2;
	_ =	sdelay $0x2  }
0x2d: {  	s4 =	simm.s32 $0xFFFFFFFF  }
0x2e: {  	s7 =	simm.s32 $0x80;
	s1 =	simm.s32 $0xFFFFFFFF;
	s28 =	spop (v2sf)  }
0x2f: {  	s0 =	sadd.s32 $0x10, s25;
	s29 =	sxor.u32 $0x80000000, s28;
	s6 =	spop (v2sf)  }
0x30: {  	v4 =	vor.u32 s0, v1;
	vm0 =	vgt.s32 v2, $0x0;
	s2 =	sadd.s32 $0x0, s29;
	v3, _, _ =	vpop (xrf0);
	s8 =	ssub.s32 $0x0, s29;
	s3 =	spop (v2sf)  }
.LBB2_2:
0x31: {  	s14 =	smov.u32 s1;
	s15 =	smov.u32 s4;
	s4 =	sxor.u32 $0x80000000, s3  }
0x32: {  	v5 =	vmov s2;
	v6 =	vnsel vm0, $0x7FFFFFFF, v4;
	v7 =	vxor.u32 $0x80000000, v3;
	s1 =	sxor.u32 $0x80000000, s6;
	s3 =	sadd.s32 $0x10, s8;
	s6 =	smov.u32 s7  }
0x33: {  	s5 =	sadd.s32 $0x40, s7;
	v4 =	vsel vm0, $0x7FFFFFFF, v4;
	v5 =	vadd.s32 $0xFFFFFFFF, v5;
	v8 =	vsub.s32 s3, v3;
	p1 =	sgt.s32 s15, s4;
	p2 =	sgt.s32 s14, s1;
	(xrf0) =	vmax.scan.msk.u32 $0xffff, v7  }
0x34: {  	p0 =	sne.s32 s7, $0x7C0;
	v5 =	vbroadcast v5, $0x0;
	v7 =	vadd.s32 v0, v8;
	s4 =	smov.u32 @p1 s15;
	s1 =	smov.u32 @p2 s14;
	(xrf0) =	vmax.scan.msk.u32 $0xffff, v4  }
0x35: {  	v4 =	vshll.u32 v7, $0x3;
	(xrf0) =	vmax.scan.msk.u32 $0xffff, v6  }
0x36: {  	v3 =	vadd.s32 v3, v5;
	v4 =	vand.u32 $0xFFFFFF80, v4  }
0x37: {  	v8 =	vshll.u32 v3, $0x3  }
0x38: {  	v3 =	vand.u32 $0xF, v3;
	v6 =	vand.u32 $0xFFFFFF80, v8  }
0x39: {  	vm1 =	vle.s32 v2, $0x0;
	v2 =	vor.u32 v3, v6;
	v3 =	vand.u32 $0xF, v7;
	v5, _, _ =	vpop (xrf0)  }
0x3a: {  	v3 =	vor.u32 v3, v4;
	v4, _, _ =	vpop (xrf0);
	(v2sf) =	vpush v5, $0xF  }
0x3b: {  	v5, _, _ =	vpop (xrf0);
	(v2sf) =	vpush v4, $0xF  }
0x3c: {  	(v2sf) =	vpush v5, $0xF  }
0x3d: {  	v4 =	vor.u32 s0, v0  }
0x3e: {  	[tilespmem:v2+s20+$0x0] =	vst.idx.msk vm0, v4  }
0x3f: {  	s6 =	sshra.s32 s6, $0x2;
	[tilespmem:v3+s18+$0x0] =	vst.idx.msk vm1, v4  }
0x40: {  	v2 =	vld [tilespmem:s6+$0x0];
	_ =	sdelay $0x4  }
0x41: {  	(xrf0) =	vadd.scan.msk.s32 $0xffff, v2;
	_ =	sdelay $0x2  }
.Ltmp2:
0x42: {  	(pc) =	sbr.rel @p0 .LBB2_2-.Ltmp2, $4  }
0x43: {  	s6 =	spop (v2sf)  }
0x44: {  	s7 =	sxor.u32 $0x80000000, s6  }
0x45: {  	s0 =	sadd.s32 $0x10, s0;
	s6 =	spop (v2sf);
	s2 =	sadd.s32 s2, s7  }
0x46: {  	v4 =	vor.u32 s0, v1;
	vm0 =	vgt.s32 v2, $0x0;
	v3, _, _ =	vpop (xrf0);
	s8 =	ssub.s32 s3, s7;
	s3 =	spop (v2sf);
	s7 =	smov.u32 s5  }
0x47: {  	v5 =	vxor.u32 $0x80000000, v3  }
0x48: {  	v6 =	vsel vm0, $0x7FFFFFFF, v4;
	(xrf0) =	vmax.scan.msk.u32 $0xffff, v5  }
0x49: {  	v50 =	vnsel vm0, $0x7FFFFFFF, v4;
	(xrf0) =	vmax.scan.msk.u32 $0xffff, v6  }
0x4a: {  	(xrf0) =	vmax.scan.msk.u32 $0xffff, v50;
	_ =	sdelay $0x3  }
0x4b: {  	v51, _, _ =	vpop (xrf0)  }
0x4c: {  	v52, _, _ =	vpop (xrf0);
	(v2sf) =	vpush v51, $0xF  }
0x4d: {  	v53, _, _ =	vpop (xrf0);
	(v2sf) =	vpush v52, $0xF  }
0x4e: {  	(v2sf) =	vpush v53, $0xF;
	_ =	sdelay $0x8  }
0x4f: {  	v54 =	vmov s2  }
0x50: {  	v4 =	vadd.s32 $0xFFFFFFFF, v54  }
0x51: {  	s5 =	sadd.s32 $0x10, s8;
	s3 =	sxor.u32 $0x80000000, s3;
	s6 =	sxor.u32 $0x80000000, s6;
	v4 =	vbroadcast v4, $0x0  }
0x52: {  	v63 =	vor.u32 s0, v0;
	s0 =	simm.s32 $0x1;
	s25 =	simm.s32 $0xA;
	v55 =	vsub.s32 s5, v3;
	p0 =	sgt.s32 s4, s3  }
0x53: {  	v5 =	vadd.s32 v0, v55;
	s3 =	smov.u32 @p0 s4;
	p0 =	sgt.s32 s1, s6;
	v3 =	vadd.s32 v3, v4;
	s7 =	spop (v2sf)  }
0x54: {  	vm1 =	vle.s32 v2, $0x0;
	v56 =	vshll.u32 v5, $0x3;
	s6 =	smov.u32 @p0 s1;
	v58 =	vshll.u32 v3, $0x3;
	s7 =	sxor.u32 $0x80000000, s7;
	s28 =	spop (v2sf)  }
0x55: {  	v57 =	vand.u32 $0xFFFFFF80, v56;
	v3 =	vand.u32 $0xF, v3;
	v6 =	vand.u32 $0xFFFFFF80, v58;
	s29 =	sadd.s32 s2, s7;
	s14 =	spop (v2sf);
	s5 =	ssub.s32 s5, s7  }
0x56: {  	v2 =	vor.u32 v3, v6;
	v3 =	vand.u32 $0xF, v5;
	s4 =	sxor.u32 $0x80000000, s14;
	s5 =	sadd.s32 $0x10, s5;
	v59 =	vadd.s32 s29, v0;
	s2 =	sadd.s32 $0xF, s29  }
0x57: {  	v3 =	vor.u32 v3, v57;
	p1 =	sgt.s32 s3, s4;
	v60 =	vadd.s32 s5, v0;
	v61 =	vshll.u32 v59, $0x3;
	s15 =	sand.u32 $0xF, s2;
	s16 =	sshra.s32 s2, $0x1F  }
0x58: {  	v5 =	vand.u32 $0xF, v59;
	p2 =	slt.s32 s2, $0x1;
	s17 =	sadd.s32 $0xF, s5;
	s4 =	smov.u32 @p1 s3;
	v6 =	vand.u32 $0xFFFFFF80, v61;
	v7 =	vshll.u32 v60, $0x3  }
0x59: {  	s3 =	sxor.u32 $0x80000000, s28;
	p4 =	sne.s32 s15, $0x0;
	v4 =	vand.u32 $0xF, v60;
	s1 =	sshrl.u32 s16, $0x1C;
	v5 =	vor.u32 v5, v6;
	v62 =	vand.u32 $0xFFFFFF80, v7  }
0x5a: {  	s5 =	sshra.s32 s17, $0x1F;
	s19 =	sand.u32 $0xF, s17;
	p5 =	slt.s32 s17, $0x1;
	v4 =	vor.u32 v4, v62  }
0x5b: {  	p1 =	sgt.s32 s6, s3;
	s1 =	sadd.s32 s1, s2;
	p0 =	por !p2, !p4  }
0x5c: {  	[tilespmem:v2+s20+$0x0] =	vst.idx.msk vm0, v63;
	s21 =	sshrl.u32 s5, $0x1C;
	p6 =	sne.s32 s19, $0x0;
	p0 =	por !p0, !p0  }
0x5d: {  	[tilespmem:v3+s18+$0x0] =	vst.idx.msk vm1, v63;
	v2 =	vmov s4;
	s3 =	smov.u32 @p1 s6;
	s1 =	sshra.s32 s1, $0x4;
	s0 =	simm.s32 @!p0 $0x0  }
0x5e: {  	s2 =	sadd.s32 s21, s17;
	p0 =	por !p5, !p6;
	s22 =	ssub.s32 s1, s0;
	[tilespmem:v5+s20+$0x0] =	vst.idx.msk $0xffff, v2;
	v2 =	vmov s3  }
0x5f: {  	p0 =	por !p0, !p0;
	s1 =	simm.s32 $0x1;
	s26 =	sadd.s32 $0x4, s22;
	[tilespmem:v4+s18+$0x0] =	vst.idx.msk $0xffff, v2  }
0x60: {  	s28 =	sadd.s32 $0x3, s22;
	_ =	swait.ge [sflag:s25], $0x4000;
	[dreg:$0x4] =	wrdreg s26  }
0x61: {  	s24 =	sshra.s32 s2, $0x4;
	s1 =	simm.s32 @!p0 $0x0;
	[dreg:$0x5] =	wrdreg s28  }
0x62: {  	s0 =	ssub.s32 s24, s1;
	[dreg:$0xd] =	wrdreg s22  }
0x63: {  	s29 =	sadd.s32 $0x2, s22;
	[dreg:$0xc] =	wrdreg s0  }
0x64: {  	s24 =	simm.s32 $0x0;
	[dreg:$0x6] =	wrdreg s29;
	[sflag:s25] =	ssyncset.done $0x0  }
0x65: {  	s26 =	simm.s32 $0x1700;
	[sflag:s25] =	ssyncadd.s32 $0xFFFFC000;
	s25 =	simm.s32 $0x300  }
.LBB2_4:
0x66: {  	s0 =	rddreg [dreg:$0x4];
	p2 =	seq.s32 s24, $0x0  }
0x67: {  	p0 =	sge.s32 @!p2 s24, s0  }
0x68: {  	p0 =	por p0, p2  }
0x69: {  	s0 =	simm.s32 @!p0 $0x5  }
0x6a: {  	_ =	swait.ge @!p0 [sflag:s0], $0x4000  }
0x6b: {  	s1 =	rddreg [dreg:$0x5]  }
0x6c: {  	p1 =	sge.s32 @!p2 s24, s1  }
0x6d: {  	[sflag:s0] =	ssyncset.done @!p0 $0x0;
	p1 =	por p1, p2  }
0x6e: {  	[sflag:s0] =	ssyncadd.s32 @!p0 $0xFFFFC000;
	s0 =	simm.s32 @!p1 $0x6  }
0x6f: {  	_ =	swait.ge @!p1 [sflag:s0], $0x4000  }
0x70: {  	[sflag:s0] =	ssyncset.done @!p1 $0x0;
	s6 =	rddreg [dreg:$0xd]  }
0x71: {  	[sflag:s0] =	ssyncadd.s32 @!p1 $0xFFFFC000;
	p0 =	sge.s32 s24, s6  }
0x72: {  	v2 =	vld @!p0 [tilespmem:s25+$0xFFFFFF00];
	_ =	sdelay $0x4  }
0x73: {  	v3 =	vshll.u32 @!p0 v2, $0x3  }
0x74: {  	v4 =	vlaneseq.u32 @!p0;
	v2 =	vand.u32 @!p0 $0x7, v2;
	v3 =	vand.u32 @!p0 $0xFFFFFFC0, v3  }
0x75: {  	v5 =	vor.u32 @!p0 v2, v3;
	v3 =	vand.u32 @!p0 $0x7, v4;
	v2 =	vshrl.u32 @!p0 v4, $0x3  }
0x76: {  	v6 =	vperm.xlane @!p0 v5, v3;
	v2 =	vmul.u32 @!p0 $0x8, v2;
	_ =	sdelay $0x1  }
0x77: {  	v6 =	vadd.s32 @!p0 v2, v6;
	_ =	sdelay $0x3  }
0x78: {  	vm0 =	vmmov @!p0 $0xffff;
	s28 =	simm.s32 @!p0 $0x0;
	s0 =	simm.s32 @!p0 $0x2A00  }
0x79: {  	v4 =	vor.u32 @!p0 $0x8, v4;
	[tilespmem:s0], [sflag:$0x1] =	stream.indirect_vreg.gather @!p0 [hbm4b:s9+s28], $0x80, v6, vm0, $0xb8;
	[tilespmem:$0x16A00] =	vst v63  }
0x7a: {  	v5 =	vperm.xlane @!p0 v5, v4;
	s0 =	simm.s32 @!p0 $0x3200  }
0x7b: {  	[tilespmem:s0], [sflag:$0x1] =	stream.indirect_vreg.gather @!p0 [hbm4b:s23+s28], $0x80, v6, vm0, $0xb8;
	[tilespmem:$0x16A00] =	vst v63  }
0x7c: {  	v5 =	vadd.s32 @!p0 v2, v5;
	s0 =	simm.s32 @!p0 $0x3A00  }
0x7d: {  	[tilespmem:s0], [sflag:$0x1] =	stream.indirect_vreg.gather @!p0 [hbm4b:s30+s28], $0x80, v6, vm0, $0xb8;
	[tilespmem:$0x16A00] =	vst v63  }
0x7e: {  	s0 =	simm.s32 @!p0 $0x4200  }
0x7f: {  	[tilespmem:s0], [sflag:$0x1] =	stream.indirect_vreg.gather @!p0 [hbm4b:s31+s28], $0x80, v6, vm0, $0xb8;
	[tilespmem:$0x16A00] =	vst v63  }
0x80: {  	s0 =	simm.s32 @!p0 $0x4A00  }
0x81: {  	[tilespmem:s0], [sflag:$0x1] =	stream.indirect_vreg.gather @!p0 [hbm4b:s9+s28], $0x80, v5, vm0, $0xb8;
	[tilespmem:$0x16A00] =	vst v63  }
0x82: {  	s0 =	simm.s32 @!p0 $0x5200  }
0x83: {  	[tilespmem:s0], [sflag:$0x1] =	stream.indirect_vreg.gather @!p0 [hbm4b:s23+s28], $0x80, v5, vm0, $0xb8;
	[tilespmem:$0x16A00] =	vst v63  }
0x84: {  	s21 =	sadd.s32 $0x1, s24;
	s0 =	simm.s32 @!p0 $0x5A00  }
0x85: {  	[tilespmem:s0], [sflag:$0x1] =	stream.indirect_vreg.gather @!p0 [hbm4b:s30+s28], $0x80, v5, vm0, $0xb8;
	[tilespmem:$0x16A00] =	vst v63  }
0x86: {  	p1 =	sge.s32 s21, s6;
	s0 =	simm.s32 @!p0 $0x6200  }
0x87: {  	[tilespmem:s0], [sflag:$0x1] =	stream.indirect_vreg.gather @!p0 [hbm4b:s31+s28], $0x80, v5, vm0, $0xb8;
	[tilespmem:$0x16A00] =	vst v63  }
0x88: {  	v5 =	vld @!p1 [tilespmem:s25+$0xFFFFFF80];
	_ =	sdelay $0x4  }
0x89: {  	v6 =	vshll.u32 @!p1 v5, $0x3  }
0x8a: {  	v7 =	vlaneseq.u32 @!p1;
	v5 =	vand.u32 @!p1 $0x7, v5;
	v6 =	vand.u32 @!p1 $0xFFFFFFC0, v6  }
0x8b: {  	v8 =	vor.u32 @!p1 v5, v6;
	v6 =	vand.u32 @!p1 $0x7, v7;
	v5 =	vshrl.u32 @!p1 v7, $0x3  }
0x8c: {  	v9 =	vperm.xlane @!p1 v8, v6;
	v5 =	vmul.u32 @!p1 $0x8, v5;
	_ =	sdelay $0x1  }
0x8d: {  	v9 =	vadd.s32 @!p1 v5, v9;
	_ =	sdelay $0x3  }
0x8e: {  	vm1 =	vmmov @!p1 $0xffff;
	s2 =	simm.s32 @!p1 $0x6A00;
	s0 =	simm.s32 @!p1 $0x0  }
0x8f: {  	v7 =	vor.u32 @!p1 $0x8, v7;
	[tilespmem:s2], [sflag:$0x2] =	stream.indirect_vreg.gather @!p1 [hbm4b:s9+s0], $0x80, v9, vm1, $0xb8;
	[tilespmem:$0x16A00] =	vst v63  }
0x90: {  	v8 =	vperm.xlane @!p1 v8, v7;
	s2 =	simm.s32 @!p1 $0x7200  }
0x91: {  	[tilespmem:s2], [sflag:$0x2] =	stream.indirect_vreg.gather @!p1 [hbm4b:s23+s0], $0x80, v9, vm1, $0xb8;
	[tilespmem:$0x16A00] =	vst v63  }
0x92: {  	v8 =	vadd.s32 @!p1 v5, v8;
	s2 =	simm.s32 @!p1 $0x7A00  }
0x93: {  	[tilespmem:s2], [sflag:$0x2] =	stream.indirect_vreg.gather @!p1 [hbm4b:s30+s0], $0x80, v9, vm1, $0xb8;
	[tilespmem:$0x16A00] =	vst v63  }
0x94: {  	s2 =	simm.s32 @!p1 $0x8200  }
0x95: {  	[tilespmem:s2], [sflag:$0x2] =	stream.indirect_vreg.gather @!p1 [hbm4b:s31+s0], $0x80, v9, vm1, $0xb8;
	[tilespmem:$0x16A00] =	vst v63  }
0x96: {  	s2 =	simm.s32 @!p1 $0x8A00  }
0x97: {  	[tilespmem:s2], [sflag:$0x2] =	stream.indirect_vreg.gather @!p1 [hbm4b:s9+s0], $0x80, v8, vm1, $0xb8;
	[tilespmem:$0x16A00] =	vst v63  }
0x98: {  	s2 =	simm.s32 @!p1 $0x9200  }
0x99: {  	[tilespmem:s2], [sflag:$0x2] =	stream.indirect_vreg.gather @!p1 [hbm4b:s23+s0], $0x80, v8, vm1, $0xb8;
	[tilespmem:$0x16A00] =	vst v63  }
0x9a: {  	s4 =	rddreg [dreg:$0xc];
	s2 =	simm.s32 @!p1 $0x9A00  }
0x9b: {  	[tilespmem:s2], [sflag:$0x2] =	stream.indirect_vreg.gather @!p1 [hbm4b:s30+s0], $0x80, v8, vm1, $0xb8;
	[tilespmem:$0x16A00] =	vst v63  }
0x9c: {  	p3 =	sge.s32 s24, s4;
	s2 =	simm.s32 @!p1 $0xA200  }
0x9d: {  	[tilespmem:s2], [sflag:$0x2] =	stream.indirect_vreg.gather @!p1 [hbm4b:s31+s0], $0x80, v8, vm1, $0xb8;
	[tilespmem:$0x16A00] =	vst v63  }
0x9e: {  	v8 =	vld @!p3 [tilespmem:s26+$0xFFFFFF00];
	_ =	sdelay $0x4  }
0x9f: {  	v9 =	vshll.u32 @!p3 v8, $0x3  }
0xa0: {  	v10 =	vlaneseq.u32 @!p3;
	v8 =	vand.u32 @!p3 $0x7, v8;
	v9 =	vand.u32 @!p3 $0xFFFFFFC0, v9  }
0xa1: {  	v11 =	vshrl.u32 @!p3 v10, $0x3;
	v8 =	vor.u32 @!p3 v8, v9;
	v9 =	vand.u32 @!p3 $0x7, v10  }
0xa2: {  	v11 =	vmul.u32 @!p3 $0x8, v11;
	v9 =	vperm.xlane @!p3 v8, v9;
	_ =	sdelay $0x1  }
0xa3: {  	v9 =	vadd.s32 @!p3 v11, v9;
	_ =	sdelay $0x3  }
0xa4: {  	vm2 =	vmmov @!p3 $0xffff;
	s3 =	simm.s32 @!p3 $0x12A00;
	s2 =	simm.s32 @!p3 $0x0  }
0xa5: {  	v10 =	vor.u32 @!p3 $0x8, v10;
	[hbm4b:s10+s2] =	stream.indirect_vreg.scatter @!p3 [tilespmem:s3], [sflag:$0x9], $0x80, v9, vm2, $0xb8;
	[tilespmem:$0x16A00] =	vst v63  }
0xa6: {  	v8 =	vperm.xlane @!p3 v8, v10;
	s3 =	simm.s32 @!p3 $0x13200  }
0xa7: {  	[hbm4b:s11+s2] =	stream.indirect_vreg.scatter @!p3 [tilespmem:s3], [sflag:$0x9], $0x80, v9, vm2, $0xb8;
	[tilespmem:$0x16A00] =	vst v63  }
0xa8: {  	v8 =	vadd.s32 @!p3 v11, v8;
	s3 =	simm.s32 @!p3 $0x13A00  }
0xa9: {  	[hbm4b:s12+s2] =	stream.indirect_vreg.scatter @!p3 [tilespmem:s3], [sflag:$0x9], $0x80, v9, vm2, $0xb8;
	[tilespmem:$0x16A00] =	vst v63  }
0xaa: {  	s3 =	simm.s32 @!p3 $0x14200  }
0xab: {  	[hbm4b:s13+s2] =	stream.indirect_vreg.scatter @!p3 [tilespmem:s3], [sflag:$0x9], $0x80, v9, vm2, $0xb8;
	[tilespmem:$0x16A00] =	vst v63  }
0xac: {  	s3 =	simm.s32 @!p3 $0x14A00  }
0xad: {  	[hbm4b:s10+s2] =	stream.indirect_vreg.scatter @!p3 [tilespmem:s3], [sflag:$0x9], $0x80, v8, vm2, $0xb8;
	[tilespmem:$0x16A00] =	vst v63  }
0xae: {  	s3 =	simm.s32 @!p3 $0x15200  }
0xaf: {  	[hbm4b:s11+s2] =	stream.indirect_vreg.scatter @!p3 [tilespmem:s3], [sflag:$0x9], $0x80, v8, vm2, $0xb8;
	[tilespmem:$0x16A00] =	vst v63  }
0xb0: {  	s3 =	simm.s32 @!p3 $0x15A00  }
0xb1: {  	[hbm4b:s12+s2] =	stream.indirect_vreg.scatter @!p3 [tilespmem:s3], [sflag:$0x9], $0x80, v8, vm2, $0xb8;
	[tilespmem:$0x16A00] =	vst v63  }
0xb2: {  	s3 =	simm.s32 @!p3 $0x16200  }
0xb3: {  	[hbm4b:s13+s2] =	stream.indirect_vreg.scatter @!p3 [tilespmem:s3], [sflag:$0x9], $0x80, v8, vm2, $0xb8;
	[tilespmem:$0x16A00] =	vst v63  }
0xb4: {  	p3 =	sge.s32 s21, s4  }
0xb5: {  	v8 =	vld @!p3 [tilespmem:s26+$0xFFFFFF80];
	_ =	sdelay $0x4  }
0xb6: {  	v9 =	vshll.u32 @!p3 v8, $0x3  }
0xb7: {  	v10 =	vlaneseq.u32 @!p3;
	v8 =	vand.u32 @!p3 $0x7, v8;
	v9 =	vand.u32 @!p3 $0xFFFFFFC0, v9  }
0xb8: {  	v11 =	vshrl.u32 @!p3 v10, $0x3;
	v8 =	vor.u32 @!p3 v8, v9;
	v9 =	vand.u32 @!p3 $0x7, v10  }
0xb9: {  	v11 =	vmul.u32 @!p3 $0x8, v11;
	v9 =	vperm.xlane @!p3 v8, v9;
	_ =	sdelay $0x1  }
0xba: {  	v9 =	vadd.s32 @!p3 v11, v9;
	_ =	sdelay $0x3  }
0xbb: {  	vm2 =	vmmov @!p3 $0xffff;
	s2 =	simm.s32 @!p3 $0x0;
	s1 =	simm.s32 @!p3 $0x12A00  }
0xbc: {  	v10 =	vor.u32 @!p3 $0x8, v10;
	[hbm4b:s10+s2] =	stream.indirect_vreg.scatter @!p3 [tilespmem:s1], [sflag:$0x9], $0x80, v9, vm2, $0xb8;
	[tilespmem:$0x16A00] =	vst v63  }
0xbd: {  	v8 =	vperm.xlane @!p3 v8, v10;
	s1 =	simm.s32 @!p3 $0x13200  }
0xbe: {  	[hbm4b:s11+s2] =	stream.indirect_vreg.scatter @!p3 [tilespmem:s1], [sflag:$0x9], $0x80, v9, vm2, $0xb8;
	[tilespmem:$0x16A00] =	vst v63  }
0xbf: {  	v8 =	vadd.s32 @!p3 v11, v8;
	s1 =	simm.s32 @!p3 $0x13A00  }
0xc0: {  	[hbm4b:s12+s2] =	stream.indirect_vreg.scatter @!p3 [tilespmem:s1], [sflag:$0x9], $0x80, v9, vm2, $0xb8;
	[tilespmem:$0x16A00] =	vst v63  }
0xc1: {  	s1 =	simm.s32 @!p3 $0x14200  }
0xc2: {  	[hbm4b:s13+s2] =	stream.indirect_vreg.scatter @!p3 [tilespmem:s1], [sflag:$0x9], $0x80, v9, vm2, $0xb8;
	[tilespmem:$0x16A00] =	vst v63  }
0xc3: {  	s1 =	simm.s32 @!p3 $0x14A00  }
0xc4: {  	[hbm4b:s10+s2] =	stream.indirect_vreg.scatter @!p3 [tilespmem:s1], [sflag:$0x9], $0x80, v8, vm2, $0xb8;
	[tilespmem:$0x16A00] =	vst v63  }
0xc5: {  	s1 =	simm.s32 @!p3 $0x15200  }
0xc6: {  	[hbm4b:s11+s2] =	stream.indirect_vreg.scatter @!p3 [tilespmem:s1], [sflag:$0x9], $0x80, v8, vm2, $0xb8;
	[tilespmem:$0x16A00] =	vst v63  }
0xc7: {  	s1 =	simm.s32 @!p3 $0x15A00  }
0xc8: {  	[hbm4b:s12+s2] =	stream.indirect_vreg.scatter @!p3 [tilespmem:s1], [sflag:$0x9], $0x80, v8, vm2, $0xb8;
	[tilespmem:$0x16A00] =	vst v63  }
0xc9: {  	s22 =	sadd.s32 $0x2, s24;
	s3 =	simm.s32 @!p3 $0x16200  }
0xca: {  	[hbm4b:s13+s2] =	stream.indirect_vreg.scatter @!p3 [tilespmem:s3], [sflag:$0x9], $0x80, v8, vm2, $0xb8;
	[tilespmem:$0x16A00] =	vst v63  }
0xcb: {  	p3 =	sge.s32 s22, s4  }
0xcc: {  	v8 =	vld @!p3 [tilespmem:s26+$0x0];
	_ =	sdelay $0x4  }
0xcd: {  	v9 =	vshll.u32 @!p3 v8, $0x3  }
0xce: {  	v10 =	vlaneseq.u32 @!p3;
	v8 =	vand.u32 @!p3 $0x7, v8;
	v9 =	vand.u32 @!p3 $0xFFFFFFC0, v9  }
0xcf: {  	v11 =	vshrl.u32 @!p3 v10, $0x3;
	v8 =	vor.u32 @!p3 v8, v9;
	v9 =	vand.u32 @!p3 $0x7, v10  }
0xd0: {  	v11 =	vmul.u32 @!p3 $0x8, v11;
	v9 =	vperm.xlane @!p3 v8, v9;
	_ =	sdelay $0x1  }
0xd1: {  	v9 =	vadd.s32 @!p3 v11, v9;
	_ =	sdelay $0x3  }
0xd2: {  	vm2 =	vmmov @!p3 $0xffff;
	s2 =	simm.s32 @!p3 $0x0;
	s3 =	simm.s32 @!p3 $0x12A00  }
0xd3: {  	v10 =	vor.u32 @!p3 $0x8, v10;
	[hbm4b:s10+s2] =	stream.indirect_vreg.scatter @!p3 [tilespmem:s3], [sflag:$0x9], $0x80, v9, vm2, $0xb8;
	[tilespmem:$0x16A00] =	vst v63  }
0xd4: {  	v8 =	vperm.xlane @!p3 v8, v10;
	s3 =	simm.s32 @!p3 $0x13200  }
0xd5: {  	[hbm4b:s11+s2] =	stream.indirect_vreg.scatter @!p3 [tilespmem:s3], [sflag:$0x9], $0x80, v9, vm2, $0xb8;
	[tilespmem:$0x16A00] =	vst v63  }
0xd6: {  	v8 =	vadd.s32 @!p3 v11, v8;
	s3 =	simm.s32 @!p3 $0x13A00  }
0xd7: {  	[hbm4b:s12+s2] =	stream.indirect_vreg.scatter @!p3 [tilespmem:s3], [sflag:$0x9], $0x80, v9, vm2, $0xb8;
	[tilespmem:$0x16A00] =	vst v63  }
0xd8: {  	s3 =	simm.s32 @!p3 $0x14200  }
0xd9: {  	[hbm4b:s13+s2] =	stream.indirect_vreg.scatter @!p3 [tilespmem:s3], [sflag:$0x9], $0x80, v9, vm2, $0xb8;
	[tilespmem:$0x16A00] =	vst v63  }
0xda: {  	s3 =	simm.s32 @!p3 $0x14A00  }
0xdb: {  	[hbm4b:s10+s2] =	stream.indirect_vreg.scatter @!p3 [tilespmem:s3], [sflag:$0x9], $0x80, v8, vm2, $0xb8;
	[tilespmem:$0x16A00] =	vst v63  }
0xdc: {  	s3 =	simm.s32 @!p3 $0x15200  }
0xdd: {  	[hbm4b:s11+s2] =	stream.indirect_vreg.scatter @!p3 [tilespmem:s3], [sflag:$0x9], $0x80, v8, vm2, $0xb8;
	[tilespmem:$0x16A00] =	vst v63  }
0xde: {  	s3 =	simm.s32 @!p3 $0x15A00  }
0xdf: {  	[hbm4b:s12+s2] =	stream.indirect_vreg.scatter @!p3 [tilespmem:s3], [sflag:$0x9], $0x80, v8, vm2, $0xb8;
	[tilespmem:$0x16A00] =	vst v63  }
0xe0: {  	s29 =	sadd.s32 $0x3, s24;
	s3 =	simm.s32 @!p3 $0x16200  }
0xe1: {  	[hbm4b:s13+s2] =	stream.indirect_vreg.scatter @!p3 [tilespmem:s3], [sflag:$0x9], $0x80, v8, vm2, $0xb8;
	[tilespmem:$0x16A00] =	vst v63  }
0xe2: {  	p3 =	sge.s32 s29, s4  }
0xe3: {  	v8 =	vld @!p3 [tilespmem:s26+$0x80];
	_ =	sdelay $0x4  }
0xe4: {  	v9 =	vshll.u32 @!p3 v8, $0x3  }
0xe5: {  	v10 =	vlaneseq.u32 @!p3;
	v8 =	vand.u32 @!p3 $0x7, v8;
	v9 =	vand.u32 @!p3 $0xFFFFFFC0, v9  }
0xe6: {  	v11 =	vshrl.u32 @!p3 v10, $0x3;
	v8 =	vor.u32 @!p3 v8, v9;
	v9 =	vand.u32 @!p3 $0x7, v10  }
0xe7: {  	v11 =	vmul.u32 @!p3 $0x8, v11;
	v9 =	vperm.xlane @!p3 v8, v9;
	_ =	sdelay $0x1  }
0xe8: {  	v9 =	vadd.s32 @!p3 v11, v9;
	_ =	sdelay $0x3  }
0xe9: {  	vm2 =	vmmov @!p3 $0xffff;
	s3 =	simm.s32 @!p3 $0x0;
	s4 =	simm.s32 @!p3 $0x12A00  }
0xea: {  	v10 =	vor.u32 @!p3 $0x8, v10;
	[hbm4b:s10+s3] =	stream.indirect_vreg.scatter @!p3 [tilespmem:s4], [sflag:$0x9], $0x80, v9, vm2, $0xb8;
	[tilespmem:$0x16A00] =	vst v63  }
0xeb: {  	v8 =	vperm.xlane @!p3 v8, v10;
	s4 =	simm.s32 @!p3 $0x13200  }
0xec: {  	[hbm4b:s11+s3] =	stream.indirect_vreg.scatter @!p3 [tilespmem:s4], [sflag:$0x9], $0x80, v9, vm2, $0xb8;
	[tilespmem:$0x16A00] =	vst v63  }
0xed: {  	v8 =	vadd.s32 @!p3 v11, v8;
	s4 =	simm.s32 @!p3 $0x13A00  }
0xee: {  	[hbm4b:s12+s3] =	stream.indirect_vreg.scatter @!p3 [tilespmem:s4], [sflag:$0x9], $0x80, v9, vm2, $0xb8;
	[tilespmem:$0x16A00] =	vst v63  }
0xef: {  	s4 =	simm.s32 @!p3 $0x14200  }
0xf0: {  	[hbm4b:s13+s3] =	stream.indirect_vreg.scatter @!p3 [tilespmem:s4], [sflag:$0x9], $0x80, v9, vm2, $0xb8;
	[tilespmem:$0x16A00] =	vst v63  }
0xf1: {  	s4 =	simm.s32 @!p3 $0x14A00  }
0xf2: {  	[hbm4b:s10+s3] =	stream.indirect_vreg.scatter @!p3 [tilespmem:s4], [sflag:$0x9], $0x80, v8, vm2, $0xb8;
	[tilespmem:$0x16A00] =	vst v63  }
0xf3: {  	s4 =	simm.s32 @!p3 $0x15200  }
0xf4: {  	[hbm4b:s11+s3] =	stream.indirect_vreg.scatter @!p3 [tilespmem:s4], [sflag:$0x9], $0x80, v8, vm2, $0xb8;
	[tilespmem:$0x16A00] =	vst v63  }
0xf5: {  	s4 =	simm.s32 @!p3 $0x15A00  }
0xf6: {  	[hbm4b:s12+s3] =	stream.indirect_vreg.scatter @!p3 [tilespmem:s4], [sflag:$0x9], $0x80, v8, vm2, $0xb8;
	[tilespmem:$0x16A00] =	vst v63  }
0xf7: {  	s5 =	simm.s32 @!p3 $0x16200;
	s4 =	rddreg [dreg:$0x6]  }
0xf8: {  	[hbm4b:s13+s3] =	stream.indirect_vreg.scatter @!p3 [tilespmem:s5], [sflag:$0x9], $0x80, v8, vm2, $0xb8;
	[tilespmem:$0x16A00] =	vst v63  }
0xf9: {  	p3 =	sge.s32 @!p2 s24, s4  }
0xfa: {  	p3 =	por p3, p2  }
0xfb: {  	s3 =	simm.s32 @!p3 $0x7  }
0xfc: {  	p4 =	sgt.s32 @!p2 s24, s6;
	_ =	swait.ge @!p3 [sflag:s3], $0x4000  }
0xfd: {  	p2 =	por p4, p2;
	[sflag:s3] =	ssyncset.done @!p3 $0x0  }
0xfe: {  	[sflag:s3] =	ssyncadd.s32 @!p3 $0xFFFFC000;
	s3 =	simm.s32 @!p2 $0x8  }
0xff: {  	_ =	swait.ge @!p2 [sflag:s3], $0x4000  }
0x100: {  	[sflag:s3] =	ssyncset.done @!p2 $0x0  }
0x101: {  	[sflag:s3] =	ssyncadd.s32 @!p2 $0xFFFFC000;
	p2 =	sge.s32 s22, s6  }
0x102: {  	v8 =	vld @!p2 [tilespmem:s25+$0x0];
	_ =	sdelay $0x4  }
0x103: {  	v9 =	vshll.u32 @!p2 v8, $0x3  }
0x104: {  	v10 =	vlaneseq.u32 @!p2;
	v8 =	vand.u32 @!p2 $0x7, v8;
	v9 =	vand.u32 @!p2 $0xFFFFFFC0, v9  }
0x105: {  	v11 =	vshrl.u32 @!p2 v10, $0x3;
	v8 =	vor.u32 @!p2 v8, v9;
	v9 =	vand.u32 @!p2 $0x7, v10  }
0x106: {  	v11 =	vmul.u32 @!p2 $0x8, v11;
	v12 =	vperm.xlane @!p2 v8, v9;
	_ =	sdelay $0x1  }
0x107: {  	v12 =	vadd.s32 @!p2 v11, v12;
	_ =	sdelay $0x3  }
0x108: {  	vm2 =	vmmov @!p2 $0xffff;
	s22 =	simm.s32 @!p2 $0x0;
	s1 =	simm.s32 @!p2 $0xAA00  }
0x109: {  	v10 =	vor.u32 @!p2 $0x8, v10;
	[tilespmem:s1], [sflag:$0x3] =	stream.indirect_vreg.gather @!p2 [hbm4b:s9+s22], $0x80, v12, vm2, $0xb8;
	[tilespmem:$0x16A00] =	vst v63  }
0x10a: {  	v8 =	vperm.xlane @!p2 v8, v10;
	s1 =	simm.s32 @!p2 $0xB200  }
0x10b: {  	[tilespmem:s1], [sflag:$0x3] =	stream.indirect_vreg.gather @!p2 [hbm4b:s23+s22], $0x80, v12, vm2, $0xb8;
	[tilespmem:$0x16A00] =	vst v63  }
0x10c: {  	v8 =	vadd.s32 @!p2 v11, v8;
	s1 =	simm.s32 @!p2 $0xBA00  }
0x10d: {  	[tilespmem:s1], [sflag:$0x3] =	stream.indirect_vreg.gather @!p2 [hbm4b:s30+s22], $0x80, v12, vm2, $0xb8;
	[tilespmem:$0x16A00] =	vst v63  }
0x10e: {  	s1 =	simm.s32 @!p2 $0xC200  }
0x10f: {  	[tilespmem:s1], [sflag:$0x3] =	stream.indirect_vreg.gather @!p2 [hbm4b:s31+s22], $0x80, v12, vm2, $0xb8;
	[tilespmem:$0x16A00] =	vst v63  }
0x110: {  	s16 =	simm.s32 @!p2 $0xCA00  }
0x111: {  	[tilespmem:s16], [sflag:$0x3] =	stream.indirect_vreg.gather @!p2 [hbm4b:s9+s22], $0x80, v8, vm2, $0xb8;
	[tilespmem:$0x16A00] =	vst v63  }
0x112: {  	s7 =	simm.s32 @!p2 $0xD200  }
0x113: {  	[tilespmem:s7], [sflag:$0x3] =	stream.indirect_vreg.gather @!p2 [hbm4b:s23+s22], $0x80, v8, vm2, $0xb8;
	[tilespmem:$0x16A00] =	vst v63  }
0x114: {  	s14 =	simm.s32 @!p2 $0xDA00  }
0x115: {  	[tilespmem:s14], [sflag:$0x3] =	stream.indirect_vreg.gather @!p2 [hbm4b:s30+s22], $0x80, v8, vm2, $0xb8;
	[tilespmem:$0x16A00] =	vst v63  }
0x116: {  	p3 =	sge.s32 s29, s6;
	s15 =	simm.s32 @!p2 $0xE200  }
0x117: {  	[tilespmem:s15], [sflag:$0x3] =	stream.indirect_vreg.gather @!p2 [hbm4b:s31+s22], $0x80, v8, vm2, $0xb8;
	[tilespmem:$0x16A00] =	vst v63  }
0x118: {  	v8 =	vld @!p3 [tilespmem:s25+$0x80];
	_ =	sdelay $0x4  }
0x119: {  	v12 =	vshll.u32 @!p3 v8, $0x3  }
0x11a: {  	v13 =	vlaneseq.u32 @!p3;
	v8 =	vand.u32 @!p3 $0x7, v8;
	v12 =	vand.u32 @!p3 $0xFFFFFFC0, v12  }
0x11b: {  	v14 =	vshrl.u32 @!p3 v13, $0x3;
	v8 =	vor.u32 @!p3 v8, v12;
	v12 =	vand.u32 @!p3 $0x7, v13  }
0x11c: {  	v14 =	vmul.u32 @!p3 $0x8, v14;
	v15 =	vperm.xlane @!p3 v8, v12;
	_ =	sdelay $0x1  }
0x11d: {  	v15 =	vadd.s32 @!p3 v14, v15;
	_ =	sdelay $0x3  }
0x11e: {  	vm3 =	vmmov @!p3 $0xffff;
	s29 =	simm.s32 @!p3 $0x0;
	s19 =	simm.s32 @!p3 $0xEA00  }
0x11f: {  	v13 =	vor.u32 @!p3 $0x8, v13;
	[tilespmem:s19], [sflag:$0x4] =	stream.indirect_vreg.gather @!p3 [hbm4b:s9+s29], $0x80, v15, vm3, $0xb8;
	[tilespmem:$0x16A00] =	vst v63  }
0x120: {  	s6 =	simm.s32 @!p3 $0xF200;
	v8 =	vperm.xlane @!p3 v8, v13  }
0x121: {  	[tilespmem:s6], [sflag:$0x4] =	stream.indirect_vreg.gather @!p3 [hbm4b:s23+s29], $0x80, v15, vm3, $0xb8;
	[tilespmem:$0x16A00] =	vst v63  }
0x122: {  	s5 =	simm.s32 @!p3 $0xFA00;
	v8 =	vadd.s32 @!p3 v14, v8  }
0x123: {  	[tilespmem:s5], [sflag:$0x4] =	stream.indirect_vreg.gather @!p3 [hbm4b:s30+s29], $0x80, v15, vm3, $0xb8;
	[tilespmem:$0x16A00] =	vst v63  }
0x124: {  	s21 =	simm.s32 @!p3 $0x10200  }
0x125: {  	[tilespmem:s21], [sflag:$0x4] =	stream.indirect_vreg.gather @!p3 [hbm4b:s31+s29], $0x80, v15, vm3, $0xb8;
	[tilespmem:$0x16A00] =	vst v63  }
0x126: {  	s4 =	simm.s32 @!p3 $0x10A00  }
0x127: {  	[tilespmem:s4], [sflag:$0x4] =	stream.indirect_vreg.gather @!p3 [hbm4b:s9+s29], $0x80, v8, vm3, $0xb8;
	[tilespmem:$0x16A00] =	vst v63  }
0x128: {  	s2 =	simm.s32 @!p3 $0x11200  }
0x129: {  	[tilespmem:s2], [sflag:$0x4] =	stream.indirect_vreg.gather @!p3 [hbm4b:s23+s29], $0x80, v8, vm3, $0xb8;
	[tilespmem:$0x16A00] =	vst v63  }
0x12a: {  	s3 =	simm.s32 @!p3 $0x11A00  }
0x12b: {  	[tilespmem:s3], [sflag:$0x4] =	stream.indirect_vreg.gather @!p3 [hbm4b:s30+s29], $0x80, v8, vm3, $0xb8;
	[tilespmem:$0x16A00] =	vst v63  }
0x12c: {  	s8 =	simm.s32 @!p3 $0x12200  }
0x12d: {  	[tilespmem:s8], [sflag:$0x4] =	stream.indirect_vreg.gather @!p3 [hbm4b:s31+s29], $0x80, v8, vm3, $0xb8;
	[tilespmem:$0x16A00] =	vst v63  }
0x12e: {  	s17 =	smov.u32 s31;
	s31 =	smov.u32 s30  }
0x12f: {  	s30 =	smov.u32 s23;
	s23 =	smov.u32 s9;
	s9 =	simm.s32 @!p0 $0x1  }
0x130: {  	_ =	swait.ge @!p0 [sflag:s9], $0x4000  }
0x131: {  	[sflag:s9] =	ssyncset.done @!p0 $0x0  }
0x132: {  	[sflag:s9] =	ssyncadd.s32 @!p0 $0xFFFFC000  }
0x133: {  	v8 =	vld @!p0 [tilespmem:s25+$0xFFFFFF00];
	_ =	sdelay $0x4  }
0x134: {  	v15 =	vshll.u32 @!p0 v8, $0x3  }
0x135: {  	v8 =	vand.u32 @!p0 $0x7, v8;
	v15 =	vand.u32 @!p0 $0xFFFFFFC0, v15  }
0x136: {  	v8 =	vor.u32 @!p0 v8, v15  }
0x137: {  	v3 =	vperm.xlane @!p0 v8, v3;
	_ =	sdelay $0x1  }
0x138: {  	v3 =	vadd.s32 @!p0 v2, v3;
	_ =	sdelay $0x3  }
0x139: {  	s9 =	simm.s32 @!p0 $0x2A00  }
0x13a: {  	[hbm4b:s10+s28] =	stream.indirect_vreg.scatter @!p0 [tilespmem:s9], [sflag:$0x5], $0x80, v3, vm0, $0xb8;
	[tilespmem:$0x16A00] =	vst v63  }
0x13b: {  	v4 =	vperm.xlane @!p0 v8, v4;
	s9 =	simm.s32 @!p0 $0x3200  }
0x13c: {  	[hbm4b:s11+s28] =	stream.indirect_vreg.scatter @!p0 [tilespmem:s9], [sflag:$0x5], $0x80, v3, vm0, $0xb8;
	[tilespmem:$0x16A00] =	vst v63  }
0x13d: {  	v2 =	vadd.s32 @!p0 v2, v4;
	s9 =	simm.s32 @!p0 $0x3A00  }
0x13e: {  	[hbm4b:s12+s28] =	stream.indirect_vreg.scatter @!p0 [tilespmem:s9], [sflag:$0x5], $0x80, v3, vm0, $0xb8;
	[tilespmem:$0x16A00] =	vst v63  }
0x13f: {  	s9 =	simm.s32 @!p0 $0x4200  }
0x140: {  	[hbm4b:s13+s28] =	stream.indirect_vreg.scatter @!p0 [tilespmem:s9], [sflag:$0x5], $0x80, v3, vm0, $0xb8;
	[tilespmem:$0x16A00] =	vst v63  }
0x141: {  	s9 =	simm.s32 @!p0 $0x4A00  }
0x142: {  	[hbm4b:s10+s28] =	stream.indirect_vreg.scatter @!p0 [tilespmem:s9], [sflag:$0x5], $0x80, v2, vm0, $0xb8;
	[tilespmem:$0x16A00] =	vst v63  }
0x143: {  	s9 =	simm.s32 @!p0 $0x5200  }
0x144: {  	[hbm4b:s11+s28] =	stream.indirect_vreg.scatter @!p0 [tilespmem:s9], [sflag:$0x5], $0x80, v2, vm0, $0xb8;
	[tilespmem:$0x16A00] =	vst v63  }
0x145: {  	s9 =	simm.s32 @!p0 $0x5A00  }
0x146: {  	[hbm4b:s12+s28] =	stream.indirect_vreg.scatter @!p0 [tilespmem:s9], [sflag:$0x5], $0x80, v2, vm0, $0xb8;
	[tilespmem:$0x16A00] =	vst v63  }
0x147: {  	s9 =	simm.s32 @!p0 $0x6200  }
0x148: {  	[hbm4b:s13+s28] =	stream.indirect_vreg.scatter @!p0 [tilespmem:s9], [sflag:$0x5], $0x80, v2, vm0, $0xb8;
	[tilespmem:$0x16A00] =	vst v63  }
0x149: {  	s9 =	simm.s32 @!p1 $0x2  }
0x14a: {  	_ =	swait.ge @!p1 [sflag:s9], $0x4000  }
0x14b: {  	[sflag:s9] =	ssyncset.done @!p1 $0x0  }
0x14c: {  	[sflag:s9] =	ssyncadd.s32 @!p1 $0xFFFFC000  }
0x14d: {  	v2 =	vld @!p1 [tilespmem:s25+$0xFFFFFF80];
	_ =	sdelay $0x4  }
0x14e: {  	v3 =	vshll.u32 @!p1 v2, $0x3  }
0x14f: {  	v2 =	vand.u32 @!p1 $0x7, v2;
	v3 =	vand.u32 @!p1 $0xFFFFFFC0, v3  }
0x150: {  	v2 =	vor.u32 @!p1 v2, v3  }
0x151: {  	v3 =	vperm.xlane @!p1 v2, v6;
	_ =	sdelay $0x1  }
0x152: {  	v3 =	vadd.s32 @!p1 v5, v3;
	_ =	sdelay $0x2  }
0x153: {  	s9 =	smov.u32 s23;
	s23 =	smov.u32 s30  }
0x154: {  	s30 =	smov.u32 s31;
	s31 =	smov.u32 s17;
	s17 =	simm.s32 @!p1 $0x6A00  }
0x155: {  	[hbm4b:s10+s0] =	stream.indirect_vreg.scatter @!p1 [tilespmem:s17], [sflag:$0x6], $0x80, v3, vm1, $0xb8;
	[tilespmem:$0x16A00] =	vst v63  }
0x156: {  	v2 =	vperm.xlane @!p1 v2, v7;
	s17 =	simm.s32 @!p1 $0x7200  }
0x157: {  	[hbm4b:s11+s0] =	stream.indirect_vreg.scatter @!p1 [tilespmem:s17], [sflag:$0x6], $0x80, v3, vm1, $0xb8;
	[tilespmem:$0x16A00] =	vst v63  }
0x158: {  	v2 =	vadd.s32 @!p1 v5, v2;
	s17 =	simm.s32 @!p1 $0x7A00  }
0x159: {  	[hbm4b:s12+s0] =	stream.indirect_vreg.scatter @!p1 [tilespmem:s17], [sflag:$0x6], $0x80, v3, vm1, $0xb8;
	[tilespmem:$0x16A00] =	vst v63  }
0x15a: {  	s17 =	simm.s32 @!p1 $0x8200  }
0x15b: {  	[hbm4b:s13+s0] =	stream.indirect_vreg.scatter @!p1 [tilespmem:s17], [sflag:$0x6], $0x80, v3, vm1, $0xb8;
	[tilespmem:$0x16A00] =	vst v63  }
0x15c: {  	s17 =	simm.s32 @!p1 $0x8A00  }
0x15d: {  	[hbm4b:s10+s0] =	stream.indirect_vreg.scatter @!p1 [tilespmem:s17], [sflag:$0x6], $0x80, v2, vm1, $0xb8;
	[tilespmem:$0x16A00] =	vst v63  }
0x15e: {  	s17 =	simm.s32 @!p1 $0x9200  }
0x15f: {  	[hbm4b:s11+s0] =	stream.indirect_vreg.scatter @!p1 [tilespmem:s17], [sflag:$0x6], $0x80, v2, vm1, $0xb8;
	[tilespmem:$0x16A00] =	vst v63  }
0x160: {  	s17 =	simm.s32 @!p1 $0x9A00  }
0x161: {  	[hbm4b:s12+s0] =	stream.indirect_vreg.scatter @!p1 [tilespmem:s17], [sflag:$0x6], $0x80, v2, vm1, $0xb8;
	[tilespmem:$0x16A00] =	vst v63  }
0x162: {  	s17 =	simm.s32 @!p1 $0xA200  }
0x163: {  	[hbm4b:s13+s0] =	stream.indirect_vreg.scatter @!p1 [tilespmem:s17], [sflag:$0x6], $0x80, v2, vm1, $0xb8;
	[tilespmem:$0x16A00] =	vst v63  }
0x164: {  	s0 =	simm.s32 @!p2 $0x3  }
0x165: {  	_ =	swait.ge @!p2 [sflag:s0], $0x4000  }
0x166: {  	[sflag:s0] =	ssyncset.done @!p2 $0x0  }
0x167: {  	[sflag:s0] =	ssyncadd.s32 @!p2 $0xFFFFC000  }
0x168: {  	v2 =	vld @!p2 [tilespmem:s25+$0x0];
	_ =	sdelay $0x4  }
0x169: {  	v3 =	vshll.u32 @!p2 v2, $0x3  }
0x16a: {  	v2 =	vand.u32 @!p2 $0x7, v2;
	v3 =	vand.u32 @!p2 $0xFFFFFFC0, v3  }
0x16b: {  	v2 =	vor.u32 @!p2 v2, v3  }
0x16c: {  	v3 =	vperm.xlane @!p2 v2, v9;
	_ =	sdelay $0x1  }
0x16d: {  	v3 =	vadd.s32 @!p2 v11, v3;
	_ =	sdelay $0x3  }
0x16e: {  	s0 =	simm.s32 @!p2 $0xAA00  }
0x16f: {  	[hbm4b:s10+s22] =	stream.indirect_vreg.scatter @!p2 [tilespmem:s0], [sflag:$0x7], $0x80, v3, vm2, $0xb8;
	[tilespmem:$0x16A00] =	vst v63  }
0x170: {  	v2 =	vperm.xlane @!p2 v2, v10;
	s0 =	simm.s32 @!p2 $0xB200  }
0x171: {  	[hbm4b:s11+s22] =	stream.indirect_vreg.scatter @!p2 [tilespmem:s0], [sflag:$0x7], $0x80, v3, vm2, $0xb8;
	[tilespmem:$0x16A00] =	vst v63  }
0x172: {  	v2 =	vadd.s32 @!p2 v11, v2;
	s0 =	simm.s32 @!p2 $0xBA00  }
0x173: {  	[hbm4b:s12+s22] =	stream.indirect_vreg.scatter @!p2 [tilespmem:s0], [sflag:$0x7], $0x80, v3, vm2, $0xb8;
	[tilespmem:$0x16A00] =	vst v63  }
0x174: {  	_ = 	snop  }
0x175: {  	[hbm4b:s13+s22] =	stream.indirect_vreg.scatter @!p2 [tilespmem:s1], [sflag:$0x7], $0x80, v3, vm2, $0xb8;
	[tilespmem:$0x16A00] =	vst v63  }
0x176: {  	_ = 	snop  }
0x177: {  	[hbm4b:s10+s22] =	stream.indirect_vreg.scatter @!p2 [tilespmem:s16], [sflag:$0x7], $0x80, v2, vm2, $0xb8;
	[tilespmem:$0x16A00] =	vst v63  }
0x178: {  	_ = 	snop  }
0x179: {  	[hbm4b:s11+s22] =	stream.indirect_vreg.scatter @!p2 [tilespmem:s7], [sflag:$0x7], $0x80, v2, vm2, $0xb8;
	[tilespmem:$0x16A00] =	vst v63  }
0x17a: {  	_ = 	snop  }
0x17b: {  	[hbm4b:s12+s22] =	stream.indirect_vreg.scatter @!p2 [tilespmem:s14], [sflag:$0x7], $0x80, v2, vm2, $0xb8;
	[tilespmem:$0x16A00] =	vst v63  }
0x17c: {  	s0 =	simm.s32 @!p3 $0x4  }
0x17d: {  	[hbm4b:s13+s22] =	stream.indirect_vreg.scatter @!p2 [tilespmem:s15], [sflag:$0x7], $0x80, v2, vm2, $0xb8;
	[tilespmem:$0x16A00] =	vst v63  }
0x17e: {  	_ =	swait.ge @!p3 [sflag:s0], $0x4000  }
0x17f: {  	[sflag:s0] =	ssyncset.done @!p3 $0x0  }
0x180: {  	[sflag:s0] =	ssyncadd.s32 @!p3 $0xFFFFC000  }
0x181: {  	v2 =	vld @!p3 [tilespmem:s25+$0x80];
	_ =	sdelay $0x4  }
0x182: {  	v3 =	vshll.u32 @!p3 v2, $0x3  }
0x183: {  	v2 =	vand.u32 @!p3 $0x7, v2;
	v3 =	vand.u32 @!p3 $0xFFFFFFC0, v3  }
0x184: {  	v2 =	vor.u32 @!p3 v2, v3  }
0x185: {  	v3 =	vperm.xlane @!p3 v2, v12;
	_ =	sdelay $0x1  }
0x186: {  	v3 =	vadd.s32 @!p3 v14, v3;
	_ =	sdelay $0x4  }
0x187: {  	[hbm4b:s10+s29] =	stream.indirect_vreg.scatter @!p3 [tilespmem:s19], [sflag:$0x8], $0x80, v3, vm3, $0xb8;
	[tilespmem:$0x16A00] =	vst v63  }
0x188: {  	v2 =	vperm.xlane @!p3 v2, v13  }
0x189: {  	[hbm4b:s11+s29] =	stream.indirect_vreg.scatter @!p3 [tilespmem:s6], [sflag:$0x8], $0x80, v3, vm3, $0xb8;
	[tilespmem:$0x16A00] =	vst v63  }
0x18a: {  	v2 =	vadd.s32 @!p3 v14, v2  }
0x18b: {  	[hbm4b:s12+s29] =	stream.indirect_vreg.scatter @!p3 [tilespmem:s5], [sflag:$0x8], $0x80, v3, vm3, $0xb8;
	[tilespmem:$0x16A00] =	vst v63  }
0x18c: {  	_ = 	snop  }
0x18d: {  	[hbm4b:s13+s29] =	stream.indirect_vreg.scatter @!p3 [tilespmem:s21], [sflag:$0x8], $0x80, v3, vm3, $0xb8;
	[tilespmem:$0x16A00] =	vst v63  }
0x18e: {  	s24 =	sadd.s32 $0x4, s24  }
0x18f: {  	[hbm4b:s10+s29] =	stream.indirect_vreg.scatter @!p3 [tilespmem:s4], [sflag:$0x8], $0x80, v2, vm3, $0xb8;
	[tilespmem:$0x16A00] =	vst v63  }
0x190: {  	p0 =	sne.s32 s24, $0x20  }
0x191: {  	[hbm4b:s11+s29] =	stream.indirect_vreg.scatter @!p3 [tilespmem:s2], [sflag:$0x8], $0x80, v2, vm3, $0xb8;
	[tilespmem:$0x16A00] =	vst v63  }
.Ltmp3:
0x192: {  	_ = 	snop;
	(pc) =	sbr.rel @p0 .LBB2_4-.Ltmp3, $4  }
0x193: {  	_ = 	snop  }
0x194: {  	[hbm4b:s12+s29] =	stream.indirect_vreg.scatter @!p3 [tilespmem:s3], [sflag:$0x8], $0x80, v2, vm3, $0xb8;
	[tilespmem:$0x16A00] =	vst v63  }
0x195: {  	s26 =	sadd.s32 $0x200, s26;
	s25 =	sadd.s32 $0x200, s25  }
0x196: {  	[hbm4b:s13+s29] =	stream.indirect_vreg.scatter @!p3 [tilespmem:s8], [sflag:$0x8], $0x80, v2, vm3, $0xb8;
	[tilespmem:$0x16A00] =	vst v63  }
0x197: {  	s1 =	rddreg [dreg:$0xd]  }
0x198: {  	p0 =	slt.s32 s1, $0x1D  }
0x199: {  	s0 =	simm.s32 @!p0 $0x5;
	p1 =	seq.s32 @!p0 s1, $0x1D  }
0x19a: {  	_ =	swait.ge @!p0 [sflag:s0], $0x4000;
	p2 =	por p1, p0  }
0x19b: {  	[sflag:s0] =	ssyncset.done @!p0 $0x0;
	p3 =	slt.u32 @!p2 s1, $0x1F  }
0x19c: {  	[sflag:s0] =	ssyncadd.s32 @!p0 $0xFFFFC000;
	s0 =	simm.s32 @!p2 $0x6;
	p4 =	por @!p0 p3, p1  }
0x19d: {  	_ =	swait.ge @!p2 [sflag:s0], $0x4000;
	p4 =	por p4, p0  }
0x19e: {  	[sflag:s0] =	ssyncset.done @!p2 $0x0;
	p5 =	seq.s32 @!p4 s1, $0x1F  }
0x19f: {  	p3 =	por @!p2 p5, p3;
	[sflag:s0] =	ssyncadd.s32 @!p2 $0xFFFFC000;
	s0 =	simm.s32 @!p4 $0x7  }
0x1a0: {  	_ =	swait.ge @!p4 [sflag:s0], $0x4000;
	p1 =	por @!p0 p3, p1  }
0x1a1: {  	[sflag:s0] =	ssyncset.done @!p4 $0x0;
	p0 =	por p1, p0  }
0x1a2: {  	[sflag:s0] =	ssyncadd.s32 @!p4 $0xFFFFC000;
	s0 =	simm.s32 @!p0 $0x8  }
0x1a3: {  	_ =	swait.ge @!p0 [sflag:s0], $0x4000  }
0x1a4: {  	s1 =	rddreg [dreg:$0xc]  }
0x1a5: {  	[sflag:s0] =	ssyncset.done @!p0 $0x0;
	p1 =	slt.s32 s1, $0x1  }
0x1a6: {  	[sflag:s0] =	ssyncadd.s32 @!p0 $0xFFFFC000;
	s0 =	simm.s32 @!p1 $0x9  }
0x1a7: {  	p0 =	seq.s32 @!p1 s1, $0x1;
	_ =	swait.ge @!p1 [sflag:s0], $0x4000  }
0x1a8: {  	p0 =	por p1, p0;
	[sflag:s0] =	ssyncset.done @!p1 $0x0  }
0x1a9: {  	[sflag:s0] =	ssyncadd.s32 @!p1 $0xFFFFC000;
	s0 =	simm.s32 @!p0 $0x9  }
0x1aa: {  	p1 =	slt.u32 @!p0 s1, $0x3;
	_ =	swait.ge @!p0 [sflag:s0], $0x4000  }
0x1ab: {  	p1 =	por p0, p1;
	[sflag:s0] =	ssyncset.done @!p0 $0x0  }
0x1ac: {  	[sflag:s0] =	ssyncadd.s32 @!p0 $0xFFFFC000;
	s0 =	simm.s32 @!p1 $0x9  }
0x1ad: {  	p0 =	seq.s32 @!p1 s1, $0x3;
	_ =	swait.ge @!p1 [sflag:s0], $0x4000  }
0x1ae: {  	p0 =	por p1, p0;
	[sflag:s0] =	ssyncset.done @!p1 $0x0  }
0x1af: {  	[sflag:s0] =	ssyncadd.s32 @!p1 $0xFFFFC000;
	s0 =	simm.s32 @!p0 $0x9  }
0x1b0: {  	p1 =	slt.u32 @!p0 s1, $0x5;
	_ =	swait.ge @!p0 [sflag:s0], $0x4000  }
0x1b1: {  	p1 =	por p0, p1;
	[sflag:s0] =	ssyncset.done @!p0 $0x0  }
0x1b2: {  	[sflag:s0] =	ssyncadd.s32 @!p0 $0xFFFFC000;
	s0 =	simm.s32 @!p1 $0x9  }
0x1b3: {  	p0 =	seq.s32 @!p1 s1, $0x5;
	_ =	swait.ge @!p1 [sflag:s0], $0x4000  }
0x1b4: {  	p0 =	por p1, p0;
	[sflag:s0] =	ssyncset.done @!p1 $0x0  }
0x1b5: {  	[sflag:s0] =	ssyncadd.s32 @!p1 $0xFFFFC000;
	s0 =	simm.s32 @!p0 $0x9  }
0x1b6: {  	p1 =	slt.u32 @!p0 s1, $0x7;
	_ =	swait.ge @!p0 [sflag:s0], $0x4000  }
0x1b7: {  	p1 =	por p0, p1;
	[sflag:s0] =	ssyncset.done @!p0 $0x0  }
0x1b8: {  	[sflag:s0] =	ssyncadd.s32 @!p0 $0xFFFFC000;
	s0 =	simm.s32 @!p1 $0x9  }
0x1b9: {  	p0 =	seq.s32 @!p1 s1, $0x7;
	_ =	swait.ge @!p1 [sflag:s0], $0x4000  }
0x1ba: {  	p0 =	por p1, p0;
	[sflag:s0] =	ssyncset.done @!p1 $0x0  }
0x1bb: {  	[sflag:s0] =	ssyncadd.s32 @!p1 $0xFFFFC000;
	s0 =	simm.s32 @!p0 $0x9  }
0x1bc: {  	p1 =	slt.u32 @!p0 s1, $0x9;
	_ =	swait.ge @!p0 [sflag:s0], $0x4000  }
0x1bd: {  	p1 =	por p0, p1;
	[sflag:s0] =	ssyncset.done @!p0 $0x0  }
0x1be: {  	[sflag:s0] =	ssyncadd.s32 @!p0 $0xFFFFC000;
	s0 =	simm.s32 @!p1 $0x9  }
0x1bf: {  	p0 =	seq.s32 @!p1 s1, $0x9;
	_ =	swait.ge @!p1 [sflag:s0], $0x4000  }
0x1c0: {  	p0 =	por p1, p0;
	[sflag:s0] =	ssyncset.done @!p1 $0x0  }
0x1c1: {  	[sflag:s0] =	ssyncadd.s32 @!p1 $0xFFFFC000;
	s0 =	simm.s32 @!p0 $0x9  }
0x1c2: {  	p1 =	slt.u32 @!p0 s1, $0xB;
	_ =	swait.ge @!p0 [sflag:s0], $0x4000  }
0x1c3: {  	p1 =	por p0, p1;
	[sflag:s0] =	ssyncset.done @!p0 $0x0  }
0x1c4: {  	[sflag:s0] =	ssyncadd.s32 @!p0 $0xFFFFC000;
	s0 =	simm.s32 @!p1 $0x9  }
0x1c5: {  	p0 =	seq.s32 @!p1 s1, $0xB;
	_ =	swait.ge @!p1 [sflag:s0], $0x4000  }
0x1c6: {  	p0 =	por p1, p0;
	[sflag:s0] =	ssyncset.done @!p1 $0x0  }
0x1c7: {  	[sflag:s0] =	ssyncadd.s32 @!p1 $0xFFFFC000;
	s0 =	simm.s32 @!p0 $0x9  }
0x1c8: {  	p1 =	slt.u32 @!p0 s1, $0xD;
	_ =	swait.ge @!p0 [sflag:s0], $0x4000  }
0x1c9: {  	p1 =	por p0, p1;
	[sflag:s0] =	ssyncset.done @!p0 $0x0  }
0x1ca: {  	[sflag:s0] =	ssyncadd.s32 @!p0 $0xFFFFC000;
	s0 =	simm.s32 @!p1 $0x9  }
0x1cb: {  	p0 =	seq.s32 @!p1 s1, $0xD;
	_ =	swait.ge @!p1 [sflag:s0], $0x4000  }
0x1cc: {  	p0 =	por p1, p0;
	[sflag:s0] =	ssyncset.done @!p1 $0x0  }
0x1cd: {  	[sflag:s0] =	ssyncadd.s32 @!p1 $0xFFFFC000;
	s0 =	simm.s32 @!p0 $0x9  }
0x1ce: {  	p1 =	slt.u32 @!p0 s1, $0xF;
	_ =	swait.ge @!p0 [sflag:s0], $0x4000  }
0x1cf: {  	p1 =	por p0, p1;
	[sflag:s0] =	ssyncset.done @!p0 $0x0  }
0x1d0: {  	[sflag:s0] =	ssyncadd.s32 @!p0 $0xFFFFC000;
	s0 =	simm.s32 @!p1 $0x9  }
0x1d1: {  	p0 =	seq.s32 @!p1 s1, $0xF;
	_ =	swait.ge @!p1 [sflag:s0], $0x4000  }
0x1d2: {  	p0 =	por p1, p0;
	[sflag:s0] =	ssyncset.done @!p1 $0x0  }
0x1d3: {  	[sflag:s0] =	ssyncadd.s32 @!p1 $0xFFFFC000;
	s0 =	simm.s32 @!p0 $0x9  }
0x1d4: {  	p1 =	slt.u32 @!p0 s1, $0x11;
	_ =	swait.ge @!p0 [sflag:s0], $0x4000  }
0x1d5: {  	p1 =	por p0, p1;
	[sflag:s0] =	ssyncset.done @!p0 $0x0  }
0x1d6: {  	[sflag:s0] =	ssyncadd.s32 @!p0 $0xFFFFC000;
	s0 =	simm.s32 @!p1 $0x9  }
0x1d7: {  	p0 =	seq.s32 @!p1 s1, $0x11;
	_ =	swait.ge @!p1 [sflag:s0], $0x4000  }
0x1d8: {  	p0 =	por p1, p0;
	[sflag:s0] =	ssyncset.done @!p1 $0x0  }
0x1d9: {  	[sflag:s0] =	ssyncadd.s32 @!p1 $0xFFFFC000;
	s0 =	simm.s32 @!p0 $0x9  }
0x1da: {  	p1 =	slt.u32 @!p0 s1, $0x13;
	_ =	swait.ge @!p0 [sflag:s0], $0x4000  }
0x1db: {  	p1 =	por p0, p1;
	[sflag:s0] =	ssyncset.done @!p0 $0x0  }
0x1dc: {  	[sflag:s0] =	ssyncadd.s32 @!p0 $0xFFFFC000;
	s0 =	simm.s32 @!p1 $0x9  }
0x1dd: {  	p0 =	seq.s32 @!p1 s1, $0x13;
	_ =	swait.ge @!p1 [sflag:s0], $0x4000  }
0x1de: {  	p0 =	por p1, p0;
	[sflag:s0] =	ssyncset.done @!p1 $0x0  }
0x1df: {  	[sflag:s0] =	ssyncadd.s32 @!p1 $0xFFFFC000;
	s0 =	simm.s32 @!p0 $0x9  }
0x1e0: {  	p1 =	slt.u32 @!p0 s1, $0x15;
	_ =	swait.ge @!p0 [sflag:s0], $0x4000  }
0x1e1: {  	p1 =	por p0, p1;
	[sflag:s0] =	ssyncset.done @!p0 $0x0  }
0x1e2: {  	[sflag:s0] =	ssyncadd.s32 @!p0 $0xFFFFC000;
	s0 =	simm.s32 @!p1 $0x9  }
0x1e3: {  	p0 =	seq.s32 @!p1 s1, $0x15;
	_ =	swait.ge @!p1 [sflag:s0], $0x4000  }
0x1e4: {  	p0 =	por p1, p0;
	[sflag:s0] =	ssyncset.done @!p1 $0x0  }
0x1e5: {  	[sflag:s0] =	ssyncadd.s32 @!p1 $0xFFFFC000;
	s0 =	simm.s32 @!p0 $0x9  }
0x1e6: {  	p1 =	slt.u32 @!p0 s1, $0x17;
	_ =	swait.ge @!p0 [sflag:s0], $0x4000  }
0x1e7: {  	p1 =	por p0, p1;
	[sflag:s0] =	ssyncset.done @!p0 $0x0  }
0x1e8: {  	[sflag:s0] =	ssyncadd.s32 @!p0 $0xFFFFC000;
	s0 =	simm.s32 @!p1 $0x9  }
0x1e9: {  	p0 =	seq.s32 @!p1 s1, $0x17;
	_ =	swait.ge @!p1 [sflag:s0], $0x4000  }
0x1ea: {  	p0 =	por p1, p0;
	[sflag:s0] =	ssyncset.done @!p1 $0x0  }
0x1eb: {  	[sflag:s0] =	ssyncadd.s32 @!p1 $0xFFFFC000;
	s0 =	simm.s32 @!p0 $0x9  }
0x1ec: {  	p1 =	slt.u32 @!p0 s1, $0x19;
	_ =	swait.ge @!p0 [sflag:s0], $0x4000  }
0x1ed: {  	p1 =	por p0, p1;
	[sflag:s0] =	ssyncset.done @!p0 $0x0  }
0x1ee: {  	[sflag:s0] =	ssyncadd.s32 @!p0 $0xFFFFC000;
	s0 =	simm.s32 @!p1 $0x9  }
0x1ef: {  	p0 =	seq.s32 @!p1 s1, $0x19;
	_ =	swait.ge @!p1 [sflag:s0], $0x4000  }
0x1f0: {  	p0 =	por p1, p0;
	[sflag:s0] =	ssyncset.done @!p1 $0x0  }
0x1f1: {  	[sflag:s0] =	ssyncadd.s32 @!p1 $0xFFFFC000;
	p1 =	slt.u32 @!p0 s1, $0x1B  }
0x1f2: {  	p1 =	por p0, p1  }
.Ltmp4:
0x1f3: {  	_ = 	snop;
	(pc) =	sbr.rel @p1 .LBB2_7-.Ltmp4, $4  }
0x1f4: {  	s0 =	simm.s32 @!p0 $0x9  }
0x1f5: {  	_ =	swait.ge @!p0 [sflag:s0], $0x4000  }
0x1f6: {  	[sflag:s0] =	ssyncset.done @!p0 $0x0  }
0x1f7: {  	s1 =	rddreg [dreg:$0xb];
	[sflag:s0] =	ssyncadd.s32 @!p0 $0xFFFFC000  }
0x1f8: {  	s2 =	rddreg [dreg:$0xc]  }
0x1f9: {  	p0 =	seq.s32 s2, $0x1B  }
0x1fa: {  	p1 =	slt.u32 @!p0 s2, $0x1D  }
0x1fb: {  	s0 =	simm.s32 $0x9;
	p2 =	por p1, p0  }
0x1fc: {  	_ =	swait.ge [sflag:s0], $0x4000;
	p3 =	seq.s32 @!p2 s2, $0x1D  }
0x1fd: {  	[sflag:s0] =	ssyncset.done $0x0;
	s3 =	simm.s32 @!p3 $0x0;
	p4 =	por @!p0 p3, p1  }
0x1fe: {  	[sflag:s0] =	ssyncadd.s32 $0xFFFFC000;
	s3 =	simm.s32 @p3 $0x1;
	p4 =	por p4, p0  }
0x1ff: {  	s0 =	simm.s32 @!p0 $0x9;
	[smem:$0x7FD] =	sst s3;
	p5 =	slt.u32 @!p4 s2, $0x1F  }
0x200: {  	_ =	swait.ge @!p0 [sflag:s0], $0x4000;
	s3 =	simm.s32 @!p5 $0x0  }
0x201: {  	[sflag:s0] =	ssyncset.done @!p0 $0x0;
	s3 =	simm.s32 @p5 $0x1  }
0x202: {  	[sflag:s0] =	ssyncadd.s32 @!p0 $0xFFFFC000;
	s0 =	simm.s32 @!p2 $0x9;
	[smem:$0x7FC] =	sst s3  }
0x203: {  	_ =	swait.ge @!p2 [sflag:s0], $0x4000  }
0x204: {  	[sflag:s0] =	ssyncset.done @!p2 $0x0  }
0x205: {  	[sflag:s0] =	ssyncadd.s32 @!p2 $0xFFFFC000;
	s0 =	simm.s32 @!p4 $0x9  }
0x206: {  	_ =	swait.ge @!p4 [sflag:s0], $0x4000  }
0x207: {  	p6 =	por @!p2 p5, p3;
	s28 =	sld [smem:$0x7FC]  }
0x208: {  	p6 =	por @!p0 p6, p1;
	s29 =	sld [smem:$0x7FD]  }
0x209: {  	p6 =	por p6, p0  }
0x20a: {  	p5 =	seq.s32 @!p6 s2, $0x1F;
	p3 =	seq.s32 s28, $0x1  }
0x20b: {  	[sflag:s0] =	ssyncset.done @!p4 $0x0;
	p5 =	por @!p4 p5, p3;
	p3 =	seq.s32 s29, $0x1  }
0x20c: {  	[sflag:s0] =	ssyncadd.s32 @!p4 $0xFFFFC000;
	s0 =	simm.s32 @!p6 $0x9;
	p2 =	por @!p2 p5, p3  }
0x20d: {  	_ =	swait.ge @!p6 [sflag:s0], $0x4000;
	p1 =	por @!p0 p2, p1  }
.Ltmp5:
0x20e: {  	[sflag:s0] =	ssyncset.done @!p6 $0x0;
	p0 =	por p1, p0;
	(pc) =	sbr.rel .LBB2_7-.Ltmp5, $4  }
0x20f: {  	[sflag:s0] =	ssyncadd.s32 @!p6 $0xFFFFC000;
	s0 =	simm.s32 @!p0 $0x9  }
0x210: {  	_ =	swait.ge @!p0 [sflag:s0], $0x4000  }
0x211: {  	[sflag:s0] =	ssyncset.done @!p0 $0x0  }
0x212: {  	[sflag:s0] =	ssyncadd.s32 @!p0 $0xFFFFC000  }
.LBB2_8:
0x213: {  	_ =	sfence.sel $0x180000  }
0x214: {  	[bflag:$0x0] =	sbarrier.arrive $0xFFFF  }
0x215: {  	_ =	strace $0x90000047  }
0x216: {  	s0 =	stileid.u32;
	[bflag:$0x2] =	sbarrier.arrive $0xFFFF  }
0x217: {  	p0 =	sne.s32 s0, $0x0;
	s0 =	rddreg [dreg:$0x3]  }
0x218: {  	s0 =	sadd.s32 @!p0 $0x100000, s0  }
0x219: {  	[sflag:s0] =	ssyncadd.tile.s32 @!p0 $0x1;
	_ =	shalt  }
.Lfunc_end2:
_tile_overlayer_lowered:
.L_overlay_start_2:
0x21a: {  	(tag) =	ssettag $0x2  }
0x21b: {  	s0 =	rddreg [dreg:$0x0];
	s2 =	stileid.u32  }
0x21c: {  	s1 =	rddreg [dreg:$0x1];
	p0 =	sne.s32 s2, $0x0  }
0x21d: {  	s3 =	rddreg [dreg:$0x2];
	[bflag:$0x3] =	sbarrier.arrive $0xFFFF;
	s2 =	simm.s32 @!p0 $0x1C0B  }
0x21e: {  	[timem:s3], [sflag:s2] =	dma.local @!p0 [hbm:s0], s1  }
0x21f: {  	s0 =	simm.s32 @!p0 $0xB  }
0x220: {  	_ =	swait.ge @!p0 [sflag:s0], s1  }
0x221: {  	s1 =	ssub.s32 @!p0 $0x0, s1;
	[sflag:s0] =	ssyncset.done @!p0 $0x0  }
0x222: {  	[sflag:s0] =	ssyncadd.s32 @!p0 s1  }
0x223: {  	[bflag:$0x3] =	sbarrier.arrive $0xFFFF  }
0x224: {  	_ =	shalt  }

</sc_bundles>
